<compile_context>
chip_gen: v7x
topology: tpu7x:2x2x1
jax: 0.10.2.dev20260603
libtpu: 0.0.44.dev20260713+nightly
codegen_flags: <defaults>
</compile_context>

<pallas_src>
import functools

import jax
import jax.numpy as jnp
from jax import lax
from jax.experimental import pallas as pl
from jax.experimental.pallas import tpu as pltpu
from jax.experimental.pallas import tpu_sc as plsc

B = 1024
L = 200
H = 128
N_TOK = B * L
EPS = 1e-12

NC = 2
NS = 16
NW = NC * NS
TOK_PER_W = N_TOK // NW
CHUNK = 128
N_CHUNKS = TOK_PER_W // CHUNK


def _sc_gather(table, ids_flat):
    mesh = plsc.VectorSubcoreMesh(
        core_axis_name="c", subcore_axis_name="s", num_cores=NC, num_subcores=NS
    )

    @functools.partial(
        pl.kernel,
        mesh=mesh,
        out_type=jax.ShapeDtypeStruct((N_TOK, H), jnp.float32),
        scratch_types=[
            pltpu.VMEM((CHUNK,), jnp.int32),
            pltpu.VMEM((CHUNK, H), jnp.float32),
            pltpu.SemaphoreType.DMA,
        ],
    )
    def k(table_hbm, idx_hbm, out_hbm, idx_v, rows_v, sem):
        wid = lax.axis_index("s") * NC + lax.axis_index("c")
        base = wid * TOK_PER_W

        def body(i, carry):
            off = base + i * CHUNK
            pltpu.sync_copy(idx_hbm.at[pl.ds(off, CHUNK)], idx_v)
            pltpu.async_copy(table_hbm.at[idx_v], rows_v, sem).wait()
            pltpu.sync_copy(rows_v, out_hbm.at[pl.ds(off, CHUNK)])
            return carry

        lax.fori_loop(0, N_CHUNKS, body, 0)

    return k(table, ids_flat)


TBLK = 1024

_INV2PI = 0.15915494309189535
_CW1 = 6.28125
_CW2 = 0.0019350051879882812
_CW3 = 3.019916050561733e-07
_COS_C = (0.9999037353498729, -0.49969697605749247, 0.04145671689547381,
          -0.001333567622484456, 1.852221976282162e-05)


def _cos_poly(arg, q):
    kf = lax.floor(q)
    r = ((arg - kf * _CW1) - kf * _CW2) - kf * _CW3
    s = r * r
    p = jnp.float32(_COS_C[4])
    for i in (3, 2, 1, 0):
        p = p * s + jnp.float32(_COS_C[i])
    return p


_K = 16


def _tc_body(g_ref, a_ref, w_ref, gam_ref, bet_ref, o_ref):
    lane0 = lax.broadcasted_iota(jnp.int32, (H, H), 1) == 0
    for r in range(TBLK // H):
        a_r = a_ref[r]
        m = lax.dot_general(a_r, w_ref[...], (((0,), (0,)), ((), ())),
                            preferred_element_type=jnp.float32)
        arg_a = m[:, 0:H]
        t2v_a = jnp.where(lane0, arg_a, _cos_poly(arg_a, m[:, H:2 * H]))
        arg_b = m[:, 2 * H:3 * H]
        t2v_b = jnp.where(lane0, arg_b, _cos_poly(arg_b, m[:, 3 * H:4 * H]))
        x = g_ref[r * H:(r + 1) * H, :] + (t2v_a + t2v_b + m[:, 4 * H:5 * H])
        mu = jnp.mean(x, axis=-1, keepdims=True)
        xc = x - mu
        var = jnp.mean(xc * xc, axis=-1, keepdims=True)
        o_ref[r * H:(r + 1) * H, :] = (
            xc * lax.rsqrt(var + EPS) * gam_ref[...] + bet_ref[...])


def _tc_fuse(gathered, feats, wmat, gamma, beta):
    grid = (N_TOK // TBLK,)
    tok_spec = pl.BlockSpec((TBLK, H), lambda i: (i, 0))

    def rep(shape):
        return pl.BlockSpec(shape, lambda i: (0, 0))

    return pl.pallas_call(
        _tc_body,
        grid=grid,
        in_specs=[
            tok_spec, pl.BlockSpec((TBLK // H, _K, H), lambda i: (i, 0, 0)),
            rep((_K, 5 * H)), rep((1, H)), rep((1, H)),
        ],
        out_specs=tok_spec,
        out_shape=jax.ShapeDtypeStruct((N_TOK, H), jnp.float32),
    )(gathered, feats, wmat, gamma, beta)


def kernel(input_ids, token_type_ids, age, abspos, concept_table,
           segment_table, age_w0, age_phi0, age_w, age_phi,
           abspos_w0, abspos_phi0, abspos_w, abspos_phi,
           ln_gamma, ln_beta):
    ids_flat = input_ids.reshape(-1).astype(jnp.int32)
    gathered = _sc_gather(concept_table, ids_flat)

    def bf(x):
        return lax.reduce_precision(x, 8, 7)

    def split3(x):
        h = bf(x)
        m = bf(x - h)
        return h, m, x - h - m

    a_h, a_m, a_l = split3(age.reshape(-1))
    b_h, b_m, b_l = split3(abspos.reshape(-1))
    ones = jnp.ones((N_TOK,), jnp.float32)
    z_tok = jnp.zeros((N_TOK,), jnp.float32)
    feats = jnp.stack(
        [a_h, a_h, a_h, a_m, a_m, a_l,
         b_h, b_h, b_h, b_m, b_m, b_l,
         ones, ones, token_type_ids.reshape(-1).astype(jnp.float32), z_tok],
        axis=0)
    feats = feats.reshape(_K, N_TOK // H, H).swapaxes(0, 1)

    wa = jnp.concatenate([age_w0, age_w], axis=1).reshape(H)
    pa = jnp.concatenate([age_phi0, age_phi]).reshape(H)
    wb = jnp.concatenate([abspos_w0, abspos_w], axis=1).reshape(H)
    pb = jnp.concatenate([abspos_phi0, abspos_phi]).reshape(H)
    z = jnp.zeros((H,), jnp.float32)
    inv = jnp.float32(_INV2PI)
    half = jnp.float32(0.5)

    def wcols(wvec, pvec, use_a):
        wh, wm, wl = split3(wvec)
        ph = bf(pvec)
        a_rows = [wh, wm, wl, wh, wm, wh]
        b_rows = [z] * 6
        return jnp.stack(
            (a_rows if use_a else b_rows) + (b_rows if use_a else a_rows)
            + [ph, pvec - ph, z, z], axis=0)

    seg0, seg1 = segment_table[0], segment_table[1]
    seg0_h = bf(seg0)
    segcols = jnp.stack([z] * 12 + [seg0_h, seg0 - seg0_h, seg1 - seg0, z],
                        axis=0)

    wmat = jnp.concatenate([
        wcols(wa, pa, True),
        wcols(wa * inv, pa * inv + half, True),
        wcols(wb, pb, False),
        wcols(wb * inv, pb * inv + half, False),
        segcols,
    ], axis=1)

    out = _tc_fuse(gathered, feats, wmat, ln_gamma[None, :], ln_beta[None, :])
    return out.reshape(B, L, H)

# --- scband reference (transcript-rebuilt; emitter-appended) ---
"""Pipeline reference for scband-ehr-embeddings-85976655331669 (READ-ONLY COPY).

The authoritative reference and input builder live on the scoring server;
editing this copy changes nothing except your own understanding.
"""

import jax, jax.numpy as jnp
import numpy as np

VOCAB = 100000
H = 128
TYPES = 2
B = 1024
L = 200
EPS = 1e-12


def setup_inputs(seed: int = 0) -> dict:
    key = jax.random.key(seed)
    k = jax.random.split(key, 14)
    return {
        "input_ids": jax.random.randint(k[0], (B, L), 0, VOCAB),
        "token_type_ids": jax.random.randint(k[1], (B, L), 0, TYPES),
        "age": jax.random.uniform(k[2], (B, L), dtype=jnp.float32) * 100.0,
        "abspos": jax.random.uniform(k[3], (B, L), dtype=jnp.float32) * 10000.0,
        "concept_table": jax.random.normal(k[4], (VOCAB, H), dtype=jnp.float32) * 0.02,
        "segment_table": jax.random.normal(k[5], (TYPES, H), dtype=jnp.float32) * 0.02,
        "age_w0": jax.random.normal(k[6], (1, 1), dtype=jnp.float32),
        "age_phi0": jax.random.normal(k[7], (1,), dtype=jnp.float32),
        "age_w": jax.random.normal(k[8], (1, H - 1), dtype=jnp.float32),
        "age_phi": jax.random.normal(k[9], (H - 1,), dtype=jnp.float32),
        "abspos_w0": jax.random.normal(k[10], (1, 1), dtype=jnp.float32),
        "abspos_phi0": jax.random.normal(k[11], (1,), dtype=jnp.float32),
        "abspos_w": jax.random.normal(k[12], (1, H - 1), dtype=jnp.float32),
        "abspos_phi": jax.random.normal(k[13], (H - 1,), dtype=jnp.float32),
        "ln_gamma": jnp.ones((H,), dtype=jnp.float32),
        "ln_beta": jnp.zeros((H,), dtype=jnp.float32),
    }


def _time2vec(tau, w0, phi0, w, phi):
    # Time2Vec: first channel linear, remaining H-1 channels periodic (cos)
    tau = tau[..., None]                      # [B, L, 1]
    linear = tau @ w0 + phi0                  # [B, L, 1]
    periodic = jnp.cos(tau @ w + phi)         # [B, L, H-1]
    return jnp.concatenate([linear, periodic], axis=-1)


def _layer_norm(x, g, b):
    mu = jnp.mean(x, axis=-1, keepdims=True)
    var = jnp.mean((x - mu) ** 2, axis=-1, keepdims=True)
    return (x - mu) / jnp.sqrt(var + EPS) * g + b


def reference(input_ids, token_type_ids, age, abspos, concept_table,
              segment_table, age_w0, age_phi0, age_w, age_phi,
              abspos_w0, abspos_phi0, abspos_w, abspos_phi,
              ln_gamma, ln_beta):
    emb = jnp.take(concept_table, input_ids, axis=0)          # concept embedding gather
    emb = emb + jnp.take(segment_table, token_type_ids, axis=0)
    emb = emb + _time2vec(age, age_w0, age_phi0, age_w, age_phi)
    emb = emb + _time2vec(abspos, abspos_w0, abspos_phi0, abspos_w, abspos_phi)
    emb = _layer_norm(emb, ln_gamma, ln_beta)
    # dropout is identity in eval mode
    return emb

if __name__ == "__main__":
    import jax
    _d = setup_inputs()
    print(jax.jit(kernel)(*tuple(_d.values())))

</pallas_src>

<mosaic_0001>
#map = affine_map<(d0, d1) -> (0, 0)>
#map1 = affine_map<(d0, d1) -> (0)>
module attributes {stable_mosaic.version = 14 : i64} {
  func.func @k(%arg0: i32, %arg1: i32, %arg2: memref<100000x128xf32, #tpu.memory_space<hbm>>, %arg3: memref<204800xi32, #tpu.memory_space<hbm>>, %arg4: memref<204800x128xf32, #tpu.memory_space<hbm>>, %arg5: memref<128xi32, #tpu.memory_space<vmem>>, %arg6: memref<128x128xf32, #tpu.memory_space<vmem>>, %arg7: memref<!tpu.dma_semaphore, #tpu.memory_space<semaphore_mem>>) attributes {dimension_semantics = [#tpu.dimension_semantics<core_parallel>, #tpu.dimension_semantics<subcore_parallel>], iteration_bounds = array<i64: 2, 16>, scalar_prefetch = 0 : i64, scratch_operands = 3 : i64, tpu.core_type = #tpu.core_type<sc_vector_subcore>, window_params = [{transform_indices = #map}, {transform_indices = #map1}, {transform_indices = #map}]} {
    %mul3A = arith.constant 2 : i32
    %mul3A_0 = arith.muli %arg1, %mul3A : i32
    %add3A = arith.addi %mul3A_0, %arg0 : i32
    %mul3A_1 = arith.constant 6400 : i32
    %mul3A_2 = arith.muli %add3A, %mul3A_1 : i32
    %scan3A = arith.constant 0 : i32
    %scan3A_3 = arith.constant 0 : i32
    %scan3A_4 = arith.constant 50 : i32
    %scan3A_5 = arith.addi %scan3A_3, %scan3A_4 : i32
    %scan3A_6 = arith.constant 1 : i32
    scf.for %scan3A_8 = %scan3A_3 to %scan3A_5 step %scan3A_6  : i32 {
      %mul3A_9 = arith.constant 128 : i32
      %mul3A_10 = arith.muli %scan3A_8, %mul3A_9 : i32
      %add3A_11 = arith.addi %mul3A_2, %mul3A_10 : i32
      "tpu.region"() ({
        %run_scoped3A = tpu.sem_alloc : memref<!tpu.dma_semaphore, #tpu.memory_space<semaphore_mem>>
        %dma_start3A_16 = tpu.memref_slice %arg3[%add3A_11] : memref<204800xi32, #tpu.memory_space<hbm>> -> memref<128xi32, #tpu.memory_space<hbm>>
        %dma_start3A_17 = tpu.memref_slice %arg3[%add3A_11] : memref<204800xi32, #tpu.memory_space<hbm>> -> memref<128xi32, #tpu.memory_space<hbm>>
        tpu.enqueue_dma source(%dma_start3A_17 : memref<128xi32, #tpu.memory_space<hbm>>) target(%arg5 : memref<128xi32, #tpu.memory_space<vmem>>) target_semaphore(%run_scoped3A : memref<!tpu.dma_semaphore, #tpu.memory_space<semaphore_mem>>)
        %dma_wait3A_18 = tpu.memref_slice %arg3[%add3A_11] : memref<204800xi32, #tpu.memory_space<hbm>> -> memref<128xi32, #tpu.memory_space<hbm>>
        %dma_wait3A_19 = tpu.memref_slice %arg3[%add3A_11] : memref<204800xi32, #tpu.memory_space<hbm>> -> memref<128xi32, #tpu.memory_space<hbm>>
        tpu.wait_dma2 semaphore(%run_scoped3A : memref<!tpu.dma_semaphore, #tpu.memory_space<semaphore_mem>>) src(%dma_wait3A_19 : memref<128xi32, #tpu.memory_space<hbm>>) dst(%arg5 : memref<128xi32, #tpu.memory_space<vmem>>)
        tpu.yield
      }) : () -> ()
      %dma_start3A = arith.constant 0 : i32
      %dma_start3A_12 = arith.constant 0 : i32
      %dma_start3A_13 = tpu.memref_slice %arg2[%dma_start3A, %dma_start3A_12] : memref<100000x128xf32, #tpu.memory_space<hbm>> -> memref<100000x128xf32, #tpu.memory_space<hbm>>
      tpu.enqueue_indirect_dma source(%dma_start3A_13 : memref<100000x128xf32, #tpu.memory_space<hbm>>) target(%arg6 : memref<128x128xf32, #tpu.memory_space<vmem>>) offsets(%arg5 : memref<128xi32, #tpu.memory_space<vmem>>) semaphore(%arg7 : memref<!tpu.dma_semaphore, #tpu.memory_space<semaphore_mem>>)
      %dma_wait3A = arith.constant 0 : i32
      %dma_wait3A_14 = arith.constant 0 : i32
      %dma_wait3A_15 = tpu.memref_slice %arg2[%dma_wait3A, %dma_wait3A_14] : memref<100000x128xf32, #tpu.memory_space<hbm>> -> memref<100000x128xf32, #tpu.memory_space<hbm>>
      tpu.wait_indirect_dma semaphore(%arg7 : memref<!tpu.dma_semaphore, #tpu.memory_space<semaphore_mem>>) src(%dma_wait3A_15 : memref<100000x128xf32, #tpu.memory_space<hbm>>) dst(%arg6 : memref<128x128xf32, #tpu.memory_space<vmem>>)
      "tpu.region"() ({
        %run_scoped3A = tpu.sem_alloc : memref<!tpu.dma_semaphore, #tpu.memory_space<semaphore_mem>>
        %dma_start3A_16 = arith.constant 0 : i32
        %dma_start3A_17 = tpu.memref_slice %arg4[%add3A_11, %dma_start3A_16] : memref<204800x128xf32, #tpu.memory_space<hbm>> -> memref<128x128xf32, #tpu.memory_space<hbm>>
        %dma_start3A_18 = arith.constant 0 : i32
        %dma_start3A_19 = tpu.memref_slice %arg4[%add3A_11, %dma_start3A_18] : memref<204800x128xf32, #tpu.memory_space<hbm>> -> memref<128x128xf32, #tpu.memory_space<hbm>>
        tpu.enqueue_dma source(%arg6 : memref<128x128xf32, #tpu.memory_space<vmem>>) target(%dma_start3A_19 : memref<128x128xf32, #tpu.memory_space<hbm>>) target_semaphore(%run_scoped3A : memref<!tpu.dma_semaphore, #tpu.memory_space<semaphore_mem>>)
        %dma_wait3A_20 = arith.constant 0 : i32
        %dma_wait3A_21 = tpu.memref_slice %arg4[%add3A_11, %dma_wait3A_20] : memref<204800x128xf32, #tpu.memory_space<hbm>> -> memref<128x128xf32, #tpu.memory_space<hbm>>
        %dma_wait3A_22 = arith.constant 0 : i32
        %dma_wait3A_23 = tpu.memref_slice %arg4[%add3A_11, %dma_wait3A_22] : memref<204800x128xf32, #tpu.memory_space<hbm>> -> memref<128x128xf32, #tpu.memory_space<hbm>>
        tpu.wait_dma2 semaphore(%run_scoped3A : memref<!tpu.dma_semaphore, #tpu.memory_space<semaphore_mem>>) src(%arg6 : memref<128x128xf32, #tpu.memory_space<vmem>>) dst(%dma_wait3A_23 : memref<128x128xf32, #tpu.memory_space<hbm>>)
        tpu.yield
      }) : () -> ()
    }
    %scan3A_7 = arith.constant 50 : i32
    return
  }
}

module attributes {stable_mosaic.version = 14 : i64} {
  func.func @_tc_body(%arg0: i32, %arg1: memref<1024x128xf32, #tpu.memory_space<vmem>>, %arg2: memref<8x16x128xf32, #tpu.memory_space<vmem>>, %arg3: memref<16x640xf32, #tpu.memory_space<vmem>>, %arg4: memref<1x128xf32, #tpu.memory_space<vmem>>, %arg5: memref<1x128xf32, #tpu.memory_space<vmem>>, %arg6: memref<1024x128xf32, #tpu.memory_space<vmem>>) attributes {dimension_semantics = [#tpu.dimension_semantics<arbitrary>], iteration_bounds = array<i64: 200>, scalar_prefetch = 0 : i64, scratch_operands = 0 : i64, tpu.core_type = #tpu.core_type<tc>, window_params = [{transform_indices = @transform_0, window_bounds = array<i64: 1024, 128>}, {transform_indices = @transform_1, window_bounds = array<i64: 8, 16, 128>}, {pipeline_mode = #tpu.pipeline_mode<synchronous>, transform_indices = @transform_2, window_bounds = array<i64: 16, 640>}, {pipeline_mode = #tpu.pipeline_mode<synchronous>, transform_indices = @transform_3, window_bounds = array<i64: 1, 128>}, {pipeline_mode = #tpu.pipeline_mode<synchronous>, transform_indices = @transform_4, window_bounds = array<i64: 1, 128>}, {transform_indices = @transform_5, window_bounds = array<i64: 1024, 128>}]} {
    %iota3A = tpu.iota {dimensions = array<i32: 1>} : vector<128x128xi32>
    %eq3A = arith.constant 0 : i32
    %eq3A_0 = vector.broadcast %eq3A : i32 to vector<128x128xi32>
    %eq3A_1 = arith.cmpi eq, %iota3A, %eq3A_0 : vector<128x128xi32>
    %get3A = arith.constant 0 : index
    %get3A_2 = arith.constant 0 : index
    %get3A_3 = arith.constant 0 : index
    %get3A_4 = vector.load %arg2[%get3A, %get3A_2, %get3A_3] : memref<8x16x128xf32, #tpu.memory_space<vmem>>, vector<1x16x128xf32>
    %get3A_5 = vector.shape_cast %get3A_4 : vector<1x16x128xf32> to vector<16x128xf32>
    %get3A_6 = arith.constant 0 : index
    %get3A_7 = arith.constant 0 : index
    %get3A_8 = vector.load %arg3[%get3A_6, %get3A_7] : memref<16x640xf32, #tpu.memory_space<vmem>>, vector<16x640xf32>
    %dot_general3A = arith.constant dense<0.000000e+00> : vector<128x640xf32>
    %dot_general3A_9 = tpu.matmul %get3A_5, %get3A_8, %dot_general3A {dimension_numbers = #tpu.dot_dimension_numbers<[0], [0], [1], [1], [0, 1, 1, 1], [], []>, transpose_lhs_hint = false} : vector<16x128xf32>, vector<16x640xf32>, vector<128x640xf32> -> vector<128x640xf32>
    %slice3A = vector.extract_strided_slice %dot_general3A_9 {offsets = [0, 0], sizes = [128, 128], strides = [1, 1]} : vector<128x640xf32> to vector<128x128xf32>
    %slice3A_10 = vector.extract_strided_slice %dot_general3A_9 {offsets = [0, 128], sizes = [128, 128], strides = [1, 1]} : vector<128x640xf32> to vector<128x128xf32>
    %floor3A = math.floor %slice3A_10 : vector<128x128xf32>
    %mul3A = arith.constant 6.281250e+00 : f32
    %mul3A_11 = vector.broadcast %mul3A : f32 to vector<128x128xf32>
    %mul3A_12 = arith.mulf %floor3A, %mul3A_11 : vector<128x128xf32>
    %sub3A = arith.subf %slice3A, %mul3A_12 : vector<128x128xf32>
    %mul3A_13 = arith.constant 0.00193500519 : f32
    %mul3A_14 = vector.broadcast %mul3A_13 : f32 to vector<128x128xf32>
    %mul3A_15 = arith.mulf %floor3A, %mul3A_14 : vector<128x128xf32>
    %sub3A_16 = arith.subf %sub3A, %mul3A_15 : vector<128x128xf32>
    %mul3A_17 = arith.constant 3.01991605E-7 : f32
    %mul3A_18 = vector.broadcast %mul3A_17 : f32 to vector<128x128xf32>
    %mul3A_19 = arith.mulf %floor3A, %mul3A_18 : vector<128x128xf32>
    %sub3A_20 = arith.subf %sub3A_16, %mul3A_19 : vector<128x128xf32>
    %mul3A_21 = arith.mulf %sub3A_20, %sub3A_20 : vector<128x128xf32>
    %mul3A_22 = arith.constant 1.85222198E-5 : f32
    %mul3A_23 = vector.broadcast %mul3A_22 : f32 to vector<128x128xf32>
    %mul3A_24 = arith.mulf %mul3A_23, %mul3A_21 : vector<128x128xf32>
    %add3A = arith.constant -0.00133356766 : f32
    %add3A_25 = vector.broadcast %add3A : f32 to vector<128x128xf32>
    %add3A_26 = arith.addf %mul3A_24, %add3A_25 : vector<128x128xf32>
    %mul3A_27 = arith.mulf %add3A_26, %mul3A_21 : vector<128x128xf32>
    %add3A_28 = arith.constant 0.041456718 : f32
    %add3A_29 = vector.broadcast %add3A_28 : f32 to vector<128x128xf32>
    %add3A_30 = arith.addf %mul3A_27, %add3A_29 : vector<128x128xf32>
    %mul3A_31 = arith.mulf %add3A_30, %mul3A_21 : vector<128x128xf32>
    %add3A_32 = arith.constant -0.49969697 : f32
    %add3A_33 = vector.broadcast %add3A_32 : f32 to vector<128x128xf32>
    %add3A_34 = arith.addf %mul3A_31, %add3A_33 : vector<128x128xf32>
    %mul3A_35 = arith.mulf %add3A_34, %mul3A_21 : vector<128x128xf32>
    %add3A_36 = arith.constant 0.999903738 : f32
    %add3A_37 = vector.broadcast %add3A_36 : f32 to vector<128x128xf32>
    %add3A_38 = arith.addf %mul3A_35, %add3A_37 : vector<128x128xf32>
    %select_n3A = arith.select %eq3A_1, %slice3A, %add3A_38 : vector<128x128xi1>, vector<128x128xf32>
    %slice3A_39 = vector.extract_strided_slice %dot_general3A_9 {offsets = [0, 256], sizes = [128, 128], strides = [1, 1]} : vector<128x640xf32> to vector<128x128xf32>
    %slice3A_40 = vector.extract_strided_slice %dot_general3A_9 {offsets = [0, 384], sizes = [128, 128], strides = [1, 1]} : vector<128x640xf32> to vector<128x128xf32>
    %floor3A_41 = math.floor %slice3A_40 : vector<128x128xf32>
    %mul3A_42 = arith.constant 6.281250e+00 : f32
    %mul3A_43 = vector.broadcast %mul3A_42 : f32 to vector<128x128xf32>
    %mul3A_44 = arith.mulf %floor3A_41, %mul3A_43 : vector<128x128xf32>
    %sub3A_45 = arith.subf %slice3A_39, %mul3A_44 : vector<128x128xf32>
    %mul3A_46 = arith.constant 0.00193500519 : f32
    %mul3A_47 = vector.broadcast %mul3A_46 : f32 to vector<128x128xf32>
    %mul3A_48 = arith.mulf %floor3A_41, %mul3A_47 : vector<128x128xf32>
    %sub3A_49 = arith.subf %sub3A_45, %mul3A_48 : vector<128x128xf32>
    %mul3A_50 = arith.constant 3.01991605E-7 : f32
    %mul3A_51 = vector.broadcast %mul3A_50 : f32 to vector<128x128xf32>
    %mul3A_52 = arith.mulf %floor3A_41, %mul3A_51 : vector<128x128xf32>
    %sub3A_53 = arith.subf %sub3A_49, %mul3A_52 : vector<128x128xf32>
    %mul3A_54 = arith.mulf %sub3A_53, %sub3A_53 : vector<128x128xf32>
    %mul3A_55 = arith.constant 1.85222198E-5 : f32
    %mul3A_56 = vector.broadcast %mul3A_55 : f32 to vector<128x128xf32>
    %mul3A_57 = arith.mulf %mul3A_56, %mul3A_54 : vector<128x128xf32>
    %add3A_58 = arith.constant -0.00133356766 : f32
    %add3A_59 = vector.broadcast %add3A_58 : f32 to vector<128x128xf32>
    %add3A_60 = arith.addf %mul3A_57, %add3A_59 : vector<128x128xf32>
    %mul3A_61 = arith.mulf %add3A_60, %mul3A_54 : vector<128x128xf32>
    %add3A_62 = arith.constant 0.041456718 : f32
    %add3A_63 = vector.broadcast %add3A_62 : f32 to vector<128x128xf32>
    %add3A_64 = arith.addf %mul3A_61, %add3A_63 : vector<128x128xf32>
    %mul3A_65 = arith.mulf %add3A_64, %mul3A_54 : vector<128x128xf32>
    %add3A_66 = arith.constant -0.49969697 : f32
    %add3A_67 = vector.broadcast %add3A_66 : f32 to vector<128x128xf32>
    %add3A_68 = arith.addf %mul3A_65, %add3A_67 : vector<128x128xf32>
    %mul3A_69 = arith.mulf %add3A_68, %mul3A_54 : vector<128x128xf32>
    %add3A_70 = arith.constant 0.999903738 : f32
    %add3A_71 = vector.broadcast %add3A_70 : f32 to vector<128x128xf32>
    %add3A_72 = arith.addf %mul3A_69, %add3A_71 : vector<128x128xf32>
    %select_n3A_73 = arith.select %eq3A_1, %slice3A_39, %add3A_72 : vector<128x128xi1>, vector<128x128xf32>
    %get3A_74 = arith.constant 0 : index
    %get3A_75 = arith.constant 0 : index
    %get3A_76 = vector.load %arg1[%get3A_74, %get3A_75] : memref<1024x128xf32, #tpu.memory_space<vmem>>, vector<128x128xf32>
    %add3A_77 = arith.addf %select_n3A, %select_n3A_73 : vector<128x128xf32>
    %slice3A_78 = vector.extract_strided_slice %dot_general3A_9 {offsets = [0, 512], sizes = [128, 128], strides = [1, 1]} : vector<128x640xf32> to vector<128x128xf32>
    %add3A_79 = arith.addf %add3A_77, %slice3A_78 : vector<128x128xf32>
    %add3A_80 = arith.addf %get3A_76, %add3A_79 : vector<128x128xf32>
    %reduce_sum3A = arith.constant dense<0.000000e+00> : vector<128xf32>
    %reduce_sum3A_81 = vector.multi_reduction <add>, %add3A_80, %reduce_sum3A [1] : vector<128x128xf32> to vector<128xf32>
    %broadcast_in_dim3A = vector.shape_cast %reduce_sum3A_81 : vector<128xf32> to vector<128x1xf32>
    %div3A = arith.constant 1.280000e+02 : f32
    %div3A_82 = vector.broadcast %div3A : f32 to vector<128x1xf32>
    %div3A_83 = arith.divf %broadcast_in_dim3A, %div3A_82 : vector<128x1xf32>
    %sub3A_84 = vector.broadcast %div3A_83 : vector<128x1xf32> to vector<128x128xf32>
    %sub3A_85 = arith.subf %add3A_80, %sub3A_84 : vector<128x128xf32>
    %mul3A_86 = arith.mulf %sub3A_85, %sub3A_85 : vector<128x128xf32>
    %reduce_sum3A_87 = arith.constant dense<0.000000e+00> : vector<128xf32>
    %reduce_sum3A_88 = vector.multi_reduction <add>, %mul3A_86, %reduce_sum3A_87 [1] : vector<128x128xf32> to vector<128xf32>
    %broadcast_in_dim3A_89 = vector.shape_cast %reduce_sum3A_88 : vector<128xf32> to vector<128x1xf32>
    %div3A_90 = arith.constant 1.280000e+02 : f32
    %div3A_91 = vector.broadcast %div3A_90 : f32 to vector<128x1xf32>
    %div3A_92 = arith.divf %broadcast_in_dim3A_89, %div3A_91 : vector<128x1xf32>
    %add3A_93 = arith.constant 9.99999996E-13 : f32
    %add3A_94 = vector.broadcast %add3A_93 : f32 to vector<128x1xf32>
    %add3A_95 = arith.addf %div3A_92, %add3A_94 : vector<128x1xf32>
    %rsqrt3A = math.rsqrt %add3A_95 : vector<128x1xf32>
    %mul3A_96 = vector.broadcast %rsqrt3A : vector<128x1xf32> to vector<128x128xf32>
    %mul3A_97 = arith.mulf %sub3A_85, %mul3A_96 : vector<128x128xf32>
    %get3A_98 = arith.constant 0 : index
    %get3A_99 = arith.constant 0 : index
    %get3A_100 = vector.load %arg4[%get3A_98, %get3A_99] : memref<1x128xf32, #tpu.memory_space<vmem>>, vector<1x128xf32>
    %mul3A_101 = vector.broadcast %get3A_100 : vector<1x128xf32> to vector<128x128xf32>
    %mul3A_102 = arith.mulf %mul3A_97, %mul3A_101 : vector<128x128xf32>
    %get3A_103 = arith.constant 0 : index
    %get3A_104 = arith.constant 0 : index
    %get3A_105 = vector.load %arg5[%get3A_103, %get3A_104] : memref<1x128xf32, #tpu.memory_space<vmem>>, vector<1x128xf32>
    %add3A_106 = vector.broadcast %get3A_105 : vector<1x128xf32> to vector<128x128xf32>
    %add3A_107 = arith.addf %mul3A_102, %add3A_106 : vector<128x128xf32>
    %swap3A = arith.constant 0 : index
    %swap3A_108 = arith.constant 0 : index
    %swap3A_109 = vector.load %arg6[%swap3A, %swap3A_108] : memref<1024x128xf32, #tpu.memory_space<vmem>>, vector<128x128xf32>
    tpu.vector_store %arg6[%swap3A, %swap3A_108], %add3A_107 {strides = array<i32>} : memref<1024x128xf32, #tpu.memory_space<vmem>>, vector<128x128xf32>,
    %get3A_110 = arith.constant 1 : index
    %get3A_111 = arith.constant 0 : index
    %get3A_112 = arith.constant 0 : index
    %get3A_113 = vector.load %arg2[%get3A_110, %get3A_111, %get3A_112] : memref<8x16x128xf32, #tpu.memory_space<vmem>>, vector<1x16x128xf32>
    %get3A_114 = vector.shape_cast %get3A_113 : vector<1x16x128xf32> to vector<16x128xf32>
    %get3A_115 = arith.constant 0 : index
    %get3A_116 = arith.constant 0 : index
    %get3A_117 = vector.load %arg3[%get3A_115, %get3A_116] : memref<16x640xf32, #tpu.memory_space<vmem>>, vector<16x640xf32>
    %dot_general3A_118 = arith.constant dense<0.000000e+00> : vector<128x640xf32>
    %dot_general3A_119 = tpu.matmul %get3A_114, %get3A_117, %dot_general3A_118 {dimension_numbers = #tpu.dot_dimension_numbers<[0], [0], [1], [1], [0, 1, 1, 1], [], []>, transpose_lhs_hint = false} : vector<16x128xf32>, vector<16x640xf32>, vector<128x640xf32> -> vector<128x640xf32>
    %slice3A_120 = vector.extract_strided_slice %dot_general3A_119 {offsets = [0, 0], sizes = [128, 128], strides = [1, 1]} : vector<128x640xf32> to vector<128x128xf32>
    %slice3A_121 = vector.extract_strided_slice %dot_general3A_119 {offsets = [0, 128], sizes = [128, 128], strides = [1, 1]} : vector<128x640xf32> to vector<128x128xf32>
    %floor3A_122 = math.floor %slice3A_121 : vector<128x128xf32>
    %mul3A_123 = arith.constant 6.281250e+00 : f32
    %mul3A_124 = vector.broadcast %mul3A_123 : f32 to vector<128x128xf32>
    %mul3A_125 = arith.mulf %floor3A_122, %mul3A_124 : vector<128x128xf32>
    %sub3A_126 = arith.subf %slice3A_120, %mul3A_125 : vector<128x128xf32>
    %mul3A_127 = arith.constant 0.00193500519 : f32
    %mul3A_128 = vector.broadcast %mul3A_127 : f32 to vector<128x128xf32>
    %mul3A_129 = arith.mulf %floor3A_122, %mul3A_128 : vector<128x128xf32>
    %sub3A_130 = arith.subf %sub3A_126, %mul3A_129 : vector<128x128xf32>
    %mul3A_131 = arith.constant 3.01991605E-7 : f32
    %mul3A_132 = vector.broadcast %mul3A_131 : f32 to vector<128x128xf32>
    %mul3A_133 = arith.mulf %floor3A_122, %mul3A_132 : vector<128x128xf32>
    %sub3A_134 = arith.subf %sub3A_130, %mul3A_133 : vector<128x128xf32>
    %mul3A_135 = arith.mulf %sub3A_134, %sub3A_134 : vector<128x128xf32>
    %mul3A_136 = arith.constant 1.85222198E-5 : f32
    %mul3A_137 = vector.broadcast %mul3A_136 : f32 to vector<128x128xf32>
    %mul3A_138 = arith.mulf %mul3A_137, %mul3A_135 : vector<128x128xf32>
    %add3A_139 = arith.constant -0.00133356766 : f32
    %add3A_140 = vector.broadcast %add3A_139 : f32 to vector<128x128xf32>
    %add3A_141 = arith.addf %mul3A_138, %add3A_140 : vector<128x128xf32>
    %mul3A_142 = arith.mulf %add3A_141, %mul3A_135 : vector<128x128xf32>
    %add3A_143 = arith.constant 0.041456718 : f32
    %add3A_144 = vector.broadcast %add3A_143 : f32 to vector<128x128xf32>
    %add3A_145 = arith.addf %mul3A_142, %add3A_144 : vector<128x128xf32>
    %mul3A_146 = arith.mulf %add3A_145, %mul3A_135 : vector<128x128xf32>
    %add3A_147 = arith.constant -0.49969697 : f32
    %add3A_148 = vector.broadcast %add3A_147 : f32 to vector<128x128xf32>
    %add3A_149 = arith.addf %mul3A_146, %add3A_148 : vector<128x128xf32>
    %mul3A_150 = arith.mulf %add3A_149, %mul3A_135 : vector<128x128xf32>
    %add3A_151 = arith.constant 0.999903738 : f32
    %add3A_152 = vector.broadcast %add3A_151 : f32 to vector<128x128xf32>
    %add3A_153 = arith.addf %mul3A_150, %add3A_152 : vector<128x128xf32>
    %select_n3A_154 = arith.select %eq3A_1, %slice3A_120, %add3A_153 : vector<128x128xi1>, vector<128x128xf32>
    %slice3A_155 = vector.extract_strided_slice %dot_general3A_119 {offsets = [0, 256], sizes = [128, 128], strides = [1, 1]} : vector<128x640xf32> to vector<128x128xf32>
    %slice3A_156 = vector.extract_strided_slice %dot_general3A_119 {offsets = [0, 384], sizes = [128, 128], strides = [1, 1]} : vector<128x640xf32> to vector<128x128xf32>
    %floor3A_157 = math.floor %slice3A_156 : vector<128x128xf32>
    %mul3A_158 = arith.constant 6.281250e+00 : f32
    %mul3A_159 = vector.broadcast %mul3A_158 : f32 to vector<128x128xf32>
    %mul3A_160 = arith.mulf %floor3A_157, %mul3A_159 : vector<128x128xf32>
    %sub3A_161 = arith.subf %slice3A_155, %mul3A_160 : vector<128x128xf32>
    %mul3A_162 = arith.constant 0.00193500519 : f32
    %mul3A_163 = vector.broadcast %mul3A_162 : f32 to vector<128x128xf32>
    %mul3A_164 = arith.mulf %floor3A_157, %mul3A_163 : vector<128x128xf32>
    %sub3A_165 = arith.subf %sub3A_161, %mul3A_164 : vector<128x128xf32>
    %mul3A_166 = arith.constant 3.01991605E-7 : f32
    %mul3A_167 = vector.broadcast %mul3A_166 : f32 to vector<128x128xf32>
    %mul3A_168 = arith.mulf %floor3A_157, %mul3A_167 : vector<128x128xf32>
    %sub3A_169 = arith.subf %sub3A_165, %mul3A_168 : vector<128x128xf32>
    %mul3A_170 = arith.mulf %sub3A_169, %sub3A_169 : vector<128x128xf32>
    %mul3A_171 = arith.constant 1.85222198E-5 : f32
    %mul3A_172 = vector.broadcast %mul3A_171 : f32 to vector<128x128xf32>
    %mul3A_173 = arith.mulf %mul3A_172, %mul3A_170 : vector<128x128xf32>
    %add3A_174 = arith.constant -0.00133356766 : f32
    %add3A_175 = vector.broadcast %add3A_174 : f32 to vector<128x128xf32>
    %add3A_176 = arith.addf %mul3A_173, %add3A_175 : vector<128x128xf32>
    %mul3A_177 = arith.mulf %add3A_176, %mul3A_170 : vector<128x128xf32>
    %add3A_178 = arith.constant 0.041456718 : f32
    %add3A_179 = vector.broadcast %add3A_178 : f32 to vector<128x128xf32>
    %add3A_180 = arith.addf %mul3A_177, %add3A_179 : vector<128x128xf32>
    %mul3A_181 = arith.mulf %add3A_180, %mul3A_170 : vector<128x128xf32>
    %add3A_182 = arith.constant -0.49969697 : f32
    %add3A_183 = vector.broadcast %add3A_182 : f32 to vector<128x128xf32>
    %add3A_184 = arith.addf %mul3A_181, %add3A_183 : vector<128x128xf32>
    %mul3A_185 = arith.mulf %add3A_184, %mul3A_170 : vector<128x128xf32>
    %add3A_186 = arith.constant 0.999903738 : f32
    %add3A_187 = vector.broadcast %add3A_186 : f32 to vector<128x128xf32>
    %add3A_188 = arith.addf %mul3A_185, %add3A_187 : vector<128x128xf32>
    %select_n3A_189 = arith.select %eq3A_1, %slice3A_155, %add3A_188 : vector<128x128xi1>, vector<128x128xf32>
    %get3A_190 = arith.constant 128 : index
    %get3A_191 = arith.constant 0 : index
    %get3A_192 = vector.load %arg1[%get3A_190, %get3A_191] : memref<1024x128xf32, #tpu.memory_space<vmem>>, vector<128x128xf32>
    %add3A_193 = arith.addf %select_n3A_154, %select_n3A_189 : vector<128x128xf32>
    %slice3A_194 = vector.extract_strided_slice %dot_general3A_119 {offsets = [0, 512], sizes = [128, 128], strides = [1, 1]} : vector<128x640xf32> to vector<128x128xf32>
    %add3A_195 = arith.addf %add3A_193, %slice3A_194 : vector<128x128xf32>
    %add3A_196 = arith.addf %get3A_192, %add3A_195 : vector<128x128xf32>
    %reduce_sum3A_197 = arith.constant dense<0.000000e+00> : vector<128xf32>
    %reduce_sum3A_198 = vector.multi_reduction <add>, %add3A_196, %reduce_sum3A_197 [1] : vector<128x128xf32> to vector<128xf32>
    %broadcast_in_dim3A_199 = vector.shape_cast %reduce_sum3A_198 : vector<128xf32> to vector<128x1xf32>
    %div3A_200 = arith.constant 1.280000e+02 : f32
    %div3A_201 = vector.broadcast %div3A_200 : f32 to vector<128x1xf32>
    %div3A_202 = arith.divf %broadcast_in_dim3A_199, %div3A_201 : vector<128x1xf32>
    %sub3A_203 = vector.broadcast %div3A_202 : vector<128x1xf32> to vector<128x128xf32>
    %sub3A_204 = arith.subf %add3A_196, %sub3A_203 : vector<128x128xf32>
    %mul3A_205 = arith.mulf %sub3A_204, %sub3A_204 : vector<128x128xf32>
    %reduce_sum3A_206 = arith.constant dense<0.000000e+00> : vector<128xf32>
    %reduce_sum3A_207 = vector.multi_reduction <add>, %mul3A_205, %reduce_sum3A_206 [1] : vector<128x128xf32> to vector<128xf32>
    %broadcast_in_dim3A_208 = vector.shape_cast %reduce_sum3A_207 : vector<128xf32> to vector<128x1xf32>
    %div3A_209 = arith.constant 1.280000e+02 : f32
    %div3A_210 = vector.broadcast %div3A_209 : f32 to vector<128x1xf32>
    %div3A_211 = arith.divf %broadcast_in_dim3A_208, %div3A_210 : vector<128x1xf32>
    %add3A_212 = arith.constant 9.99999996E-13 : f32
    %add3A_213 = vector.broadcast %add3A_212 : f32 to vector<128x1xf32>
    %add3A_214 = arith.addf %div3A_211, %add3A_213 : vector<128x1xf32>
    %rsqrt3A_215 = math.rsqrt %add3A_214 : vector<128x1xf32>
    %mul3A_216 = vector.broadcast %rsqrt3A_215 : vector<128x1xf32> to vector<128x128xf32>
    %mul3A_217 = arith.mulf %sub3A_204, %mul3A_216 : vector<128x128xf32>
    %get3A_218 = arith.constant 0 : index
    %get3A_219 = arith.constant 0 : index
    %get3A_220 = vector.load %arg4[%get3A_218, %get3A_219] : memref<1x128xf32, #tpu.memory_space<vmem>>, vector<1x128xf32>
    %mul3A_221 = vector.broadcast %get3A_220 : vector<1x128xf32> to vector<128x128xf32>
    %mul3A_222 = arith.mulf %mul3A_217, %mul3A_221 : vector<128x128xf32>
    %get3A_223 = arith.constant 0 : index
    %get3A_224 = arith.constant 0 : index
    %get3A_225 = vector.load %arg5[%get3A_223, %get3A_224] : memref<1x128xf32, #tpu.memory_space<vmem>>, vector<1x128xf32>
    %add3A_226 = vector.broadcast %get3A_225 : vector<1x128xf32> to vector<128x128xf32>
    %add3A_227 = arith.addf %mul3A_222, %add3A_226 : vector<128x128xf32>
    %swap3A_228 = arith.constant 128 : index
    %swap3A_229 = arith.constant 0 : index
    %swap3A_230 = vector.load %arg6[%swap3A_228, %swap3A_229] : memref<1024x128xf32, #tpu.memory_space<vmem>>, vector<128x128xf32>
    tpu.vector_store %arg6[%swap3A_228, %swap3A_229], %add3A_227 {strides = array<i32>} : memref<1024x128xf32, #tpu.memory_space<vmem>>, vector<128x128xf32>,
    %get3A_231 = arith.constant 2 : index
    %get3A_232 = arith.constant 0 : index
    %get3A_233 = arith.constant 0 : index
    %get3A_234 = vector.load %arg2[%get3A_231, %get3A_232, %get3A_233] : memref<8x16x128xf32, #tpu.memory_space<vmem>>, vector<1x16x128xf32>
    %get3A_235 = vector.shape_cast %get3A_234 : vector<1x16x128xf32> to vector<16x128xf32>
    %get3A_236 = arith.constant 0 : index
    %get3A_237 = arith.constant 0 : index
    %get3A_238 = vector.load %arg3[%get3A_236, %get3A_237] : memref<16x640xf32, #tpu.memory_space<vmem>>, vector<16x640xf32>
    %dot_general3A_239 = arith.constant dense<0.000000e+00> : vector<128x640xf32>
    %dot_general3A_240 = tpu.matmul %get3A_235, %get3A_238, %dot_general3A_239 {dimension_numbers = #tpu.dot_dimension_numbers<[0], [0], [1], [1], [0, 1, 1, 1], [], []>, transpose_lhs_hint = false} : vector<16x128xf32>, vector<16x640xf32>, vector<128x640xf32> -> vector<128x640xf32>
    %slice3A_241 = vector.extract_strided_slice %dot_general3A_240 {offsets = [0, 0], sizes = [128, 128], strides = [1, 1]} : vector<128x640xf32> to vector<128x128xf32>
    %slice3A_242 = vector.extract_strided_slice %dot_general3A_240 {offsets = [0, 128], sizes = [128, 128], strides = [1, 1]} : vector<128x640xf32> to vector<128x128xf32>
    %floor3A_243 = math.floor %slice3A_242 : vector<128x128xf32>
    %mul3A_244 = arith.constant 6.281250e+00 : f32
    %mul3A_245 = vector.broadcast %mul3A_244 : f32 to vector<128x128xf32>
    %mul3A_246 = arith.mulf %floor3A_243, %mul3A_245 : vector<128x128xf32>
    %sub3A_247 = arith.subf %slice3A_241, %mul3A_246 : vector<128x128xf32>
    %mul3A_248 = arith.constant 0.00193500519 : f32
    %mul3A_249 = vector.broadcast %mul3A_248 : f32 to vector<128x128xf32>
    %mul3A_250 = arith.mulf %floor3A_243, %mul3A_249 : vector<128x128xf32>
    %sub3A_251 = arith.subf %sub3A_247, %mul3A_250 : vector<128x128xf32>
    %mul3A_252 = arith.constant 3.01991605E-7 : f32
    %mul3A_253 = vector.broadcast %mul3A_252 : f32 to vector<128x128xf32>
    %mul3A_254 = arith.mulf %floor3A_243, %mul3A_253 : vector<128x128xf32>
    %sub3A_255 = arith.subf %sub3A_251, %mul3A_254 : vector<128x128xf32>
    %mul3A_256 = arith.mulf %sub3A_255, %sub3A_255 : vector<128x128xf32>
    %mul3A_257 = arith.constant 1.85222198E-5 : f32
    %mul3A_258 = vector.broadcast %mul3A_257 : f32 to vector<128x128xf32>
    %mul3A_259 = arith.mulf %mul3A_258, %mul3A_256 : vector<128x128xf32>
    %add3A_260 = arith.constant -0.00133356766 : f32
    %add3A_261 = vector.broadcast %add3A_260 : f32 to vector<128x128xf32>
    %add3A_262 = arith.addf %mul3A_259, %add3A_261 : vector<128x128xf32>
    %mul3A_263 = arith.mulf %add3A_262, %mul3A_256 : vector<128x128xf32>
    %add3A_264 = arith.constant 0.041456718 : f32
    %add3A_265 = vector.broadcast %add3A_264 : f32 to vector<128x128xf32>
    %add3A_266 = arith.addf %mul3A_263, %add3A_265 : vector<128x128xf32>
    %mul3A_267 = arith.mulf %add3A_266, %mul3A_256 : vector<128x128xf32>
    %add3A_268 = arith.constant -0.49969697 : f32
    %add3A_269 = vector.broadcast %add3A_268 : f32 to vector<128x128xf32>
    %add3A_270 = arith.addf %mul3A_267, %add3A_269 : vector<128x128xf32>
    %mul3A_271 = arith.mulf %add3A_270, %mul3A_256 : vector<128x128xf32>
    %add3A_272 = arith.constant 0.999903738 : f32
    %add3A_273 = vector.broadcast %add3A_272 : f32 to vector<128x128xf32>
    %add3A_274 = arith.addf %mul3A_271, %add3A_273 : vector<128x128xf32>
    %select_n3A_275 = arith.select %eq3A_1, %slice3A_241, %add3A_274 : vector<128x128xi1>, vector<128x128xf32>
    %slice3A_276 = vector.extract_strided_slice %dot_general3A_240 {offsets = [0, 256], sizes = [128, 128], strides = [1, 1]} : vector<128x640xf32> to vector<128x128xf32>
    %slice3A_277 = vector.extract_strided_slice %dot_general3A_240 {offsets = [0, 384], sizes = [128, 128], strides = [1, 1]} : vector<128x640xf32> to vector<128x128xf32>
    %floor3A_278 = math.floor %slice3A_277 : vector<128x128xf32>
    %mul3A_279 = arith.constant 6.281250e+00 : f32
    %mul3A_280 = vector.broadcast %mul3A_279 : f32 to vector<128x128xf32>
    %mul3A_281 = arith.mulf %floor3A_278, %mul3A_280 : vector<128x128xf32>
    %sub3A_282 = arith.subf %slice3A_276, %mul3A_281 : vector<128x128xf32>
    %mul3A_283 = arith.constant 0.00193500519 : f32
    %mul3A_284 = vector.broadcast %mul3A_283 : f32 to vector<128x128xf32>
    %mul3A_285 = arith.mulf %floor3A_278, %mul3A_284 : vector<128x128xf32>
    %sub3A_286 = arith.subf %sub3A_282, %mul3A_285 : vector<128x128xf32>
    %mul3A_287 = arith.constant 3.01991605E-7 : f32
    %mul3A_288 = vector.broadcast %mul3A_287 : f32 to vector<128x128xf32>
    %mul3A_289 = arith.mulf %floor3A_278, %mul3A_288 : vector<128x128xf32>
    %sub3A_290 = arith.subf %sub3A_286, %mul3A_289 : vector<128x128xf32>
    %mul3A_291 = arith.mulf %sub3A_290, %sub3A_290 : vector<128x128xf32>
    %mul3A_292 = arith.constant 1.85222198E-5 : f32
    %mul3A_293 = vector.broadcast %mul3A_292 : f32 to vector<128x128xf32>
    %mul3A_294 = arith.mulf %mul3A_293, %mul3A_291 : vector<128x128xf32>
    %add3A_295 = arith.constant -0.00133356766 : f32
    %add3A_296 = vector.broadcast %add3A_295 : f32 to vector<128x128xf32>
    %add3A_297 = arith.addf %mul3A_294, %add3A_296 : vector<128x128xf32>
    %mul3A_298 = arith.mulf %add3A_297, %mul3A_291 : vector<128x128xf32>
    %add3A_299 = arith.constant 0.041456718 : f32
    %add3A_300 = vector.broadcast %add3A_299 : f32 to vector<128x128xf32>
    %add3A_301 = arith.addf %mul3A_298, %add3A_300 : vector<128x128xf32>
    %mul3A_302 = arith.mulf %add3A_301, %mul3A_291 : vector<128x128xf32>
    %add3A_303 = arith.constant -0.49969697 : f32
    %add3A_304 = vector.broadcast %add3A_303 : f32 to vector<128x128xf32>
    %add3A_305 = arith.addf %mul3A_302, %add3A_304 : vector<128x128xf32>
    %mul3A_306 = arith.mulf %add3A_305, %mul3A_291 : vector<128x128xf32>
    %add3A_307 = arith.constant 0.999903738 : f32
    %add3A_308 = vector.broadcast %add3A_307 : f32 to vector<128x128xf32>
    %add3A_309 = arith.addf %mul3A_306, %add3A_308 : vector<128x128xf32>
    %select_n3A_310 = arith.select %eq3A_1, %slice3A_276, %add3A_309 : vector<128x128xi1>, vector<128x128xf32>
    %get3A_311 = arith.constant 256 : index
    %get3A_312 = arith.constant 0 : index
    %get3A_313 = vector.load %arg1[%get3A_311, %get3A_312] : memref<1024x128xf32, #tpu.memory_space<vmem>>, vector<128x128xf32>
    %add3A_314 = arith.addf %select_n3A_275, %select_n3A_310 : vector<128x128xf32>
    %slice3A_315 = vector.extract_strided_slice %dot_general3A_240 {offsets = [0, 512], sizes = [128, 128], strides = [1, 1]} : vector<128x640xf32> to vector<128x128xf32>
    %add3A_316 = arith.addf %add3A_314, %slice3A_315 : vector<128x128xf32>
    %add3A_317 = arith.addf %get3A_313, %add3A_316 : vector<128x128xf32>
    %reduce_sum3A_318 = arith.constant dense<0.000000e+00> : vector<128xf32>
    %reduce_sum3A_319 = vector.multi_reduction <add>, %add3A_317, %reduce_sum3A_318 [1] : vector<128x128xf32> to vector<128xf32>
    %broadcast_in_dim3A_320 = vector.shape_cast %reduce_sum3A_319 : vector<128xf32> to vector<128x1xf32>
    %div3A_321 = arith.constant 1.280000e+02 : f32
    %div3A_322 = vector.broadcast %div3A_321 : f32 to vector<128x1xf32>
    %div3A_323 = arith.divf %broadcast_in_dim3A_320, %div3A_322 : vector<128x1xf32>
    %sub3A_324 = vector.broadcast %div3A_323 : vector<128x1xf32> to vector<128x128xf32>
    %sub3A_325 = arith.subf %add3A_317, %sub3A_324 : vector<128x128xf32>
    %mul3A_326 = arith.mulf %sub3A_325, %sub3A_325 : vector<128x128xf32>
    %reduce_sum3A_327 = arith.constant dense<0.000000e+00> : vector<128xf32>
    %reduce_sum3A_328 = vector.multi_reduction <add>, %mul3A_326, %reduce_sum3A_327 [1] : vector<128x128xf32> to vector<128xf32>
    %broadcast_in_dim3A_329 = vector.shape_cast %reduce_sum3A_328 : vector<128xf32> to vector<128x1xf32>
    %div3A_330 = arith.constant 1.280000e+02 : f32
    %div3A_331 = vector.broadcast %div3A_330 : f32 to vector<128x1xf32>
    %div3A_332 = arith.divf %broadcast_in_dim3A_329, %div3A_331 : vector<128x1xf32>
    %add3A_333 = arith.constant 9.99999996E-13 : f32
    %add3A_334 = vector.broadcast %add3A_333 : f32 to vector<128x1xf32>
    %add3A_335 = arith.addf %div3A_332, %add3A_334 : vector<128x1xf32>
    %rsqrt3A_336 = math.rsqrt %add3A_335 : vector<128x1xf32>
    %mul3A_337 = vector.broadcast %rsqrt3A_336 : vector<128x1xf32> to vector<128x128xf32>
    %mul3A_338 = arith.mulf %sub3A_325, %mul3A_337 : vector<128x128xf32>
    %get3A_339 = arith.constant 0 : index
    %get3A_340 = arith.constant 0 : index
    %get3A_341 = vector.load %arg4[%get3A_339, %get3A_340] : memref<1x128xf32, #tpu.memory_space<vmem>>, vector<1x128xf32>
    %mul3A_342 = vector.broadcast %get3A_341 : vector<1x128xf32> to vector<128x128xf32>
    %mul3A_343 = arith.mulf %mul3A_338, %mul3A_342 : vector<128x128xf32>
    %get3A_344 = arith.constant 0 : index
    %get3A_345 = arith.constant 0 : index
    %get3A_346 = vector.load %arg5[%get3A_344, %get3A_345] : memref<1x128xf32, #tpu.memory_space<vmem>>, vector<1x128xf32>
    %add3A_347 = vector.broadcast %get3A_346 : vector<1x128xf32> to vector<128x128xf32>
    %add3A_348 = arith.addf %mul3A_343, %add3A_347 : vector<128x128xf32>
    %swap3A_349 = arith.constant 256 : index
    %swap3A_350 = arith.constant 0 : index
    %swap3A_351 = vector.load %arg6[%swap3A_349, %swap3A_350] : memref<1024x128xf32, #tpu.memory_space<vmem>>, vector<128x128xf32>
    tpu.vector_store %arg6[%swap3A_349, %swap3A_350], %add3A_348 {strides = array<i32>} : memref<1024x128xf32, #tpu.memory_space<vmem>>, vector<128x128xf32>,
    %get3A_352 = arith.constant 3 : index
    %get3A_353 = arith.constant 0 : index
    %get3A_354 = arith.constant 0 : index
    %get3A_355 = vector.load %arg2[%get3A_352, %get3A_353, %get3A_354] : memref<8x16x128xf32, #tpu.memory_space<vmem>>, vector<1x16x128xf32>
    %get3A_356 = vector.shape_cast %get3A_355 : vector<1x16x128xf32> to vector<16x128xf32>
    %get3A_357 = arith.constant 0 : index
    %get3A_358 = arith.constant 0 : index
    %get3A_359 = vector.load %arg3[%get3A_357, %get3A_358] : memref<16x640xf32, #tpu.memory_space<vmem>>, vector<16x640xf32>
    %dot_general3A_360 = arith.constant dense<0.000000e+00> : vector<128x640xf32>
    %dot_general3A_361 = tpu.matmul %get3A_356, %get3A_359, %dot_general3A_360 {dimension_numbers = #tpu.dot_dimension_numbers<[0], [0], [1], [1], [0, 1, 1, 1], [], []>, transpose_lhs_hint = false} : vector<16x128xf32>, vector<16x640xf32>, vector<128x640xf32> -> vector<128x640xf32>
    %slice3A_362 = vector.extract_strided_slice %dot_general3A_361 {offsets = [0, 0], sizes = [128, 128], strides = [1, 1]} : vector<128x640xf32> to vector<128x128xf32>
    %slice3A_363 = vector.extract_strided_slice %dot_general3A_361 {offsets = [0, 128], sizes = [128, 128], strides = [1, 1]} : vector<128x640xf32> to vector<128x128xf32>
    %floor3A_364 = math.floor %slice3A_363 : vector<128x128xf32>
    %mul3A_365 = arith.constant 6.281250e+00 : f32
    %mul3A_366 = vector.broadcast %mul3A_365 : f32 to vector<128x128xf32>
    %mul3A_367 = arith.mulf %floor3A_364, %mul3A_366 : vector<128x128xf32>
    %sub3A_368 = arith.subf %slice3A_362, %mul3A_367 : vector<128x128xf32>
    %mul3A_369 = arith.constant 0.00193500519 : f32
    %mul3A_370 = vector.broadcast %mul3A_369 : f32 to vector<128x128xf32>
    %mul3A_371 = arith.mulf %floor3A_364, %mul3A_370 : vector<128x128xf32>
    %sub3A_372 = arith.subf %sub3A_368, %mul3A_371 : vector<128x128xf32>
    %mul3A_373 = arith.constant 3.01991605E-7 : f32
    %mul3A_374 = vector.broadcast %mul3A_373 : f32 to vector<128x128xf32>
    %mul3A_375 = arith.mulf %floor3A_364, %mul3A_374 : vector<128x128xf32>
    %sub3A_376 = arith.subf %sub3A_372, %mul3A_375 : vector<128x128xf32>
    %mul3A_377 = arith.mulf %sub3A_376, %sub3A_376 : vector<128x128xf32>
    %mul3A_378 = arith.constant 1.85222198E-5 : f32
    %mul3A_379 = vector.broadcast %mul3A_378 : f32 to vector<128x128xf32>
    %mul3A_380 = arith.mulf %mul3A_379, %mul3A_377 : vector<128x128xf32>
    %add3A_381 = arith.constant -0.00133356766 : f32
    %add3A_382 = vector.broadcast %add3A_381 : f32 to vector<128x128xf32>
    %add3A_383 = arith.addf %mul3A_380, %add3A_382 : vector<128x128xf32>
    %mul3A_384 = arith.mulf %add3A_383, %mul3A_377 : vector<128x128xf32>
    %add3A_385 = arith.constant 0.041456718 : f32
    %add3A_386 = vector.broadcast %add3A_385 : f32 to vector<128x128xf32>
    %add3A_387 = arith.addf %mul3A_384, %add3A_386 : vector<128x128xf32>
    %mul3A_388 = arith.mulf %add3A_387, %mul3A_377 : vector<128x128xf32>
    %add3A_389 = arith.constant -0.49969697 : f32
    %add3A_390 = vector.broadcast %add3A_389 : f32 to vector<128x128xf32>
    %add3A_391 = arith.addf %mul3A_388, %add3A_390 : vector<128x128xf32>
    %mul3A_392 = arith.mulf %add3A_391, %mul3A_377 : vector<128x128xf32>
    %add3A_393 = arith.constant 0.999903738 : f32
    %add3A_394 = vector.broadcast %add3A_393 : f32 to vector<128x128xf32>
    %add3A_395 = arith.addf %mul3A_392, %add3A_394 : vector<128x128xf32>
    %select_n3A_396 = arith.select %eq3A_1, %slice3A_362, %add3A_395 : vector<128x128xi1>, vector<128x128xf32>
    %slice3A_397 = vector.extract_strided_slice %dot_general3A_361 {offsets = [0, 256], sizes = [128, 128], strides = [1, 1]} : vector<128x640xf32> to vector<128x128xf32>
    %slice3A_398 = vector.extract_strided_slice %dot_general3A_361 {offsets = [0, 384], sizes = [128, 128], strides = [1, 1]} : vector<128x640xf32> to vector<128x128xf32>
    %floor3A_399 = math.floor %slice3A_398 : vector<128x128xf32>
    %mul3A_400 = arith.constant 6.281250e+00 : f32
    %mul3A_401 = vector.broadcast %mul3A_400 : f32 to vector<128x128xf32>
    %mul3A_402 = arith.mulf %floor3A_399, %mul3A_401 : vector<128x128xf32>
    %sub3A_403 = arith.subf %slice3A_397, %mul3A_402 : vector<128x128xf32>
    %mul3A_404 = arith.constant 0.00193500519 : f32
    %mul3A_405 = vector.broadcast %mul3A_404 : f32 to vector<128x128xf32>
    %mul3A_406 = arith.mulf %floor3A_399, %mul3A_405 : vector<128x128xf32>
    %sub3A_407 = arith.subf %sub3A_403, %mul3A_406 : vector<128x128xf32>
    %mul3A_408 = arith.constant 3.01991605E-7 : f32
    %mul3A_409 = vector.broadcast %mul3A_408 : f32 to vector<128x128xf32>
    %mul3A_410 = arith.mulf %floor3A_399, %mul3A_409 : vector<128x128xf32>
    %sub3A_411 = arith.subf %sub3A_407, %mul3A_410 : vector<128x128xf32>
    %mul3A_412 = arith.mulf %sub3A_411, %sub3A_411 : vector<128x128xf32>
    %mul3A_413 = arith.constant 1.85222198E-5 : f32
    %mul3A_414 = vector.broadcast %mul3A_413 : f32 to vector<128x128xf32>
    %mul3A_415 = arith.mulf %mul3A_414, %mul3A_412 : vector<128x128xf32>
    %add3A_416 = arith.constant -0.00133356766 : f32
    %add3A_417 = vector.broadcast %add3A_416 : f32 to vector<128x128xf32>
    %add3A_418 = arith.addf %mul3A_415, %add3A_417 : vector<128x128xf32>
    %mul3A_419 = arith.mulf %add3A_418, %mul3A_412 : vector<128x128xf32>
    %add3A_420 = arith.constant 0.041456718 : f32
    %add3A_421 = vector.broadcast %add3A_420 : f32 to vector<128x128xf32>
    %add3A_422 = arith.addf %mul3A_419, %add3A_421 : vector<128x128xf32>
    %mul3A_423 = arith.mulf %add3A_422, %mul3A_412 : vector<128x128xf32>
    %add3A_424 = arith.constant -0.49969697 : f32
    %add3A_425 = vector.broadcast %add3A_424 : f32 to vector<128x128xf32>
    %add3A_426 = arith.addf %mul3A_423, %add3A_425 : vector<128x128xf32>
    %mul3A_427 = arith.mulf %add3A_426, %mul3A_412 : vector<128x128xf32>
    %add3A_428 = arith.constant 0.999903738 : f32
    %add3A_429 = vector.broadcast %add3A_428 : f32 to vector<128x128xf32>
    %add3A_430 = arith.addf %mul3A_427, %add3A_429 : vector<128x128xf32>
    %select_n3A_431 = arith.select %eq3A_1, %slice3A_397, %add3A_430 : vector<128x128xi1>, vector<128x128xf32>
    %get3A_432 = arith.constant 384 : index
    %get3A_433 = arith.constant 0 : index
    %get3A_434 = vector.load %arg1[%get3A_432, %get3A_433] : memref<1024x128xf32, #tpu.memory_space<vmem>>, vector<128x128xf32>
    %add3A_435 = arith.addf %select_n3A_396, %select_n3A_431 : vector<128x128xf32>
    %slice3A_436 = vector.extract_strided_slice %dot_general3A_361 {offsets = [0, 512], sizes = [128, 128], strides = [1, 1]} : vector<128x640xf32> to vector<128x128xf32>
    %add3A_437 = arith.addf %add3A_435, %slice3A_436 : vector<128x128xf32>
    %add3A_438 = arith.addf %get3A_434, %add3A_437 : vector<128x128xf32>
    %reduce_sum3A_439 = arith.constant dense<0.000000e+00> : vector<128xf32>
    %reduce_sum3A_440 = vector.multi_reduction <add>, %add3A_438, %reduce_sum3A_439 [1] : vector<128x128xf32> to vector<128xf32>
    %broadcast_in_dim3A_441 = vector.shape_cast %reduce_sum3A_440 : vector<128xf32> to vector<128x1xf32>
    %div3A_442 = arith.constant 1.280000e+02 : f32
    %div3A_443 = vector.broadcast %div3A_442 : f32 to vector<128x1xf32>
    %div3A_444 = arith.divf %broadcast_in_dim3A_441, %div3A_443 : vector<128x1xf32>
    %sub3A_445 = vector.broadcast %div3A_444 : vector<128x1xf32> to vector<128x128xf32>
    %sub3A_446 = arith.subf %add3A_438, %sub3A_445 : vector<128x128xf32>
    %mul3A_447 = arith.mulf %sub3A_446, %sub3A_446 : vector<128x128xf32>
    %reduce_sum3A_448 = arith.constant dense<0.000000e+00> : vector<128xf32>
    %reduce_sum3A_449 = vector.multi_reduction <add>, %mul3A_447, %reduce_sum3A_448 [1] : vector<128x128xf32> to vector<128xf32>
    %broadcast_in_dim3A_450 = vector.shape_cast %reduce_sum3A_449 : vector<128xf32> to vector<128x1xf32>
    %div3A_451 = arith.constant 1.280000e+02 : f32
    %div3A_452 = vector.broadcast %div3A_451 : f32 to vector<128x1xf32>
    %div3A_453 = arith.divf %broadcast_in_dim3A_450, %div3A_452 : vector<128x1xf32>
    %add3A_454 = arith.constant 9.99999996E-13 : f32
    %add3A_455 = vector.broadcast %add3A_454 : f32 to vector<128x1xf32>
    %add3A_456 = arith.addf %div3A_453, %add3A_455 : vector<128x1xf32>
    %rsqrt3A_457 = math.rsqrt %add3A_456 : vector<128x1xf32>
    %mul3A_458 = vector.broadcast %rsqrt3A_457 : vector<128x1xf32> to vector<128x128xf32>
    %mul3A_459 = arith.mulf %sub3A_446, %mul3A_458 : vector<128x128xf32>
    %get3A_460 = arith.constant 0 : index
    %get3A_461 = arith.constant 0 : index
    %get3A_462 = vector.load %arg4[%get3A_460, %get3A_461] : memref<1x128xf32, #tpu.memory_space<vmem>>, vector<1x128xf32>
    %mul3A_463 = vector.broadcast %get3A_462 : vector<1x128xf32> to vector<128x128xf32>
    %mul3A_464 = arith.mulf %mul3A_459, %mul3A_463 : vector<128x128xf32>
    %get3A_465 = arith.constant 0 : index
    %get3A_466 = arith.constant 0 : index
    %get3A_467 = vector.load %arg5[%get3A_465, %get3A_466] : memref<1x128xf32, #tpu.memory_space<vmem>>, vector<1x128xf32>
    %add3A_468 = vector.broadcast %get3A_467 : vector<1x128xf32> to vector<128x128xf32>
    %add3A_469 = arith.addf %mul3A_464, %add3A_468 : vector<128x128xf32>
    %swap3A_470 = arith.constant 384 : index
    %swap3A_471 = arith.constant 0 : index
    %swap3A_472 = vector.load %arg6[%swap3A_470, %swap3A_471] : memref<1024x128xf32, #tpu.memory_space<vmem>>, vector<128x128xf32>
    tpu.vector_store %arg6[%swap3A_470, %swap3A_471], %add3A_469 {strides = array<i32>} : memref<1024x128xf32, #tpu.memory_space<vmem>>, vector<128x128xf32>,
    %get3A_473 = arith.constant 4 : index
    %get3A_474 = arith.constant 0 : index
    %get3A_475 = arith.constant 0 : index
    %get3A_476 = vector.load %arg2[%get3A_473, %get3A_474, %get3A_475] : memref<8x16x128xf32, #tpu.memory_space<vmem>>, vector<1x16x128xf32>
    %get3A_477 = vector.shape_cast %get3A_476 : vector<1x16x128xf32> to vector<16x128xf32>
    %get3A_478 = arith.constant 0 : index
    %get3A_479 = arith.constant 0 : index
    %get3A_480 = vector.load %arg3[%get3A_478, %get3A_479] : memref<16x640xf32, #tpu.memory_space<vmem>>, vector<16x640xf32>
    %dot_general3A_481 = arith.constant dense<0.000000e+00> : vector<128x640xf32>
    %dot_general3A_482 = tpu.matmul %get3A_477, %get3A_480, %dot_general3A_481 {dimension_numbers = #tpu.dot_dimension_numbers<[0], [0], [1], [1], [0, 1, 1, 1], [], []>, transpose_lhs_hint = false} : vector<16x128xf32>, vector<16x640xf32>, vector<128x640xf32> -> vector<128x640xf32>
    %slice3A_483 = vector.extract_strided_slice %dot_general3A_482 {offsets = [0, 0], sizes = [128, 128], strides = [1, 1]} : vector<128x640xf32> to vector<128x128xf32>
    %slice3A_484 = vector.extract_strided_slice %dot_general3A_482 {offsets = [0, 128], sizes = [128, 128], strides = [1, 1]} : vector<128x640xf32> to vector<128x128xf32>
    %floor3A_485 = math.floor %slice3A_484 : vector<128x128xf32>
    %mul3A_486 = arith.constant 6.281250e+00 : f32
    %mul3A_487 = vector.broadcast %mul3A_486 : f32 to vector<128x128xf32>
    %mul3A_488 = arith.mulf %floor3A_485, %mul3A_487 : vector<128x128xf32>
    %sub3A_489 = arith.subf %slice3A_483, %mul3A_488 : vector<128x128xf32>
    %mul3A_490 = arith.constant 0.00193500519 : f32
    %mul3A_491 = vector.broadcast %mul3A_490 : f32 to vector<128x128xf32>
    %mul3A_492 = arith.mulf %floor3A_485, %mul3A_491 : vector<128x128xf32>
    %sub3A_493 = arith.subf %sub3A_489, %mul3A_492 : vector<128x128xf32>
    %mul3A_494 = arith.constant 3.01991605E-7 : f32
    %mul3A_495 = vector.broadcast %mul3A_494 : f32 to vector<128x128xf32>
    %mul3A_496 = arith.mulf %floor3A_485, %mul3A_495 : vector<128x128xf32>
    %sub3A_497 = arith.subf %sub3A_493, %mul3A_496 : vector<128x128xf32>
    %mul3A_498 = arith.mulf %sub3A_497, %sub3A_497 : vector<128x128xf32>
    %mul3A_499 = arith.constant 1.85222198E-5 : f32
    %mul3A_500 = vector.broadcast %mul3A_499 : f32 to vector<128x128xf32>
    %mul3A_501 = arith.mulf %mul3A_500, %mul3A_498 : vector<128x128xf32>
    %add3A_502 = arith.constant -0.00133356766 : f32
    %add3A_503 = vector.broadcast %add3A_502 : f32 to vector<128x128xf32>
    %add3A_504 = arith.addf %mul3A_501, %add3A_503 : vector<128x128xf32>
    %mul3A_505 = arith.mulf %add3A_504, %mul3A_498 : vector<128x128xf32>
    %add3A_506 = arith.constant 0.041456718 : f32
    %add3A_507 = vector.broadcast %add3A_506 : f32 to vector<128x128xf32>
    %add3A_508 = arith.addf %mul3A_505, %add3A_507 : vector<128x128xf32>
    %mul3A_509 = arith.mulf %add3A_508, %mul3A_498 : vector<128x128xf32>
    %add3A_510 = arith.constant -0.49969697 : f32
    %add3A_511 = vector.broadcast %add3A_510 : f32 to vector<128x128xf32>
    %add3A_512 = arith.addf %mul3A_509, %add3A_511 : vector<128x128xf32>
    %mul3A_513 = arith.mulf %add3A_512, %mul3A_498 : vector<128x128xf32>
    %add3A_514 = arith.constant 0.999903738 : f32
    %add3A_515 = vector.broadcast %add3A_514 : f32 to vector<128x128xf32>
    %add3A_516 = arith.addf %mul3A_513, %add3A_515 : vector<128x128xf32>
    %select_n3A_517 = arith.select %eq3A_1, %slice3A_483, %add3A_516 : vector<128x128xi1>, vector<128x128xf32>
    %slice3A_518 = vector.extract_strided_slice %dot_general3A_482 {offsets = [0, 256], sizes = [128, 128], strides = [1, 1]} : vector<128x640xf32> to vector<128x128xf32>
    %slice3A_519 = vector.extract_strided_slice %dot_general3A_482 {offsets = [0, 384], sizes = [128, 128], strides = [1, 1]} : vector<128x640xf32> to vector<128x128xf32>
    %floor3A_520 = math.floor %slice3A_519 : vector<128x128xf32>
    %mul3A_521 = arith.constant 6.281250e+00 : f32
    %mul3A_522 = vector.broadcast %mul3A_521 : f32 to vector<128x128xf32>
    %mul3A_523 = arith.mulf %floor3A_520, %mul3A_522 : vector<128x128xf32>
    %sub3A_524 = arith.subf %slice3A_518, %mul3A_523 : vector<128x128xf32>
    %mul3A_525 = arith.constant 0.00193500519 : f32
    %mul3A_526 = vector.broadcast %mul3A_525 : f32 to vector<128x128xf32>
    %mul3A_527 = arith.mulf %floor3A_520, %mul3A_526 : vector<128x128xf32>
    %sub3A_528 = arith.subf %sub3A_524, %mul3A_527 : vector<128x128xf32>
    %mul3A_529 = arith.constant 3.01991605E-7 : f32
    %mul3A_530 = vector.broadcast %mul3A_529 : f32 to vector<128x128xf32>
    %mul3A_531 = arith.mulf %floor3A_520, %mul3A_530 : vector<128x128xf32>
    %sub3A_532 = arith.subf %sub3A_528, %mul3A_531 : vector<128x128xf32>
    %mul3A_533 = arith.mulf %sub3A_532, %sub3A_532 : vector<128x128xf32>
    %mul3A_534 = arith.constant 1.85222198E-5 : f32
    %mul3A_535 = vector.broadcast %mul3A_534 : f32 to vector<128x128xf32>
    %mul3A_536 = arith.mulf %mul3A_535, %mul3A_533 : vector<128x128xf32>
    %add3A_537 = arith.constant -0.00133356766 : f32
    %add3A_538 = vector.broadcast %add3A_537 : f32 to vector<128x128xf32>
    %add3A_539 = arith.addf %mul3A_536, %add3A_538 : vector<128x128xf32>
    %mul3A_540 = arith.mulf %add3A_539, %mul3A_533 : vector<128x128xf32>
    %add3A_541 = arith.constant 0.041456718 : f32
    %add3A_542 = vector.broadcast %add3A_541 : f32 to vector<128x128xf32>
    %add3A_543 = arith.addf %mul3A_540, %add3A_542 : vector<128x128xf32>
    %mul3A_544 = arith.mulf %add3A_543, %mul3A_533 : vector<128x128xf32>
    %add3A_545 = arith.constant -0.49969697 : f32
    %add3A_546 = vector.broadcast %add3A_545 : f32 to vector<128x128xf32>
    %add3A_547 = arith.addf %mul3A_544, %add3A_546 : vector<128x128xf32>
    %mul3A_548 = arith.mulf %add3A_547, %mul3A_533 : vector<128x128xf32>
    %add3A_549 = arith.constant 0.999903738 : f32
    %add3A_550 = vector.broadcast %add3A_549 : f32 to vector<128x128xf32>
    %add3A_551 = arith.addf %mul3A_548, %add3A_550 : vector<128x128xf32>
    %select_n3A_552 = arith.select %eq3A_1, %slice3A_518, %add3A_551 : vector<128x128xi1>, vector<128x128xf32>
    %get3A_553 = arith.constant 512 : index
    %get3A_554 = arith.constant 0 : index
    %get3A_555 = vector.load %arg1[%get3A_553, %get3A_554] : memref<1024x128xf32, #tpu.memory_space<vmem>>, vector<128x128xf32>
    %add3A_556 = arith.addf %select_n3A_517, %select_n3A_552 : vector<128x128xf32>
    %slice3A_557 = vector.extract_strided_slice %dot_general3A_482 {offsets = [0, 512], sizes = [128, 128], strides = [1, 1]} : vector<128x640xf32> to vector<128x128xf32>
    %add3A_558 = arith.addf %add3A_556, %slice3A_557 : vector<128x128xf32>
    %add3A_559 = arith.addf %get3A_555, %add3A_558 : vector<128x128xf32>
    %reduce_sum3A_560 = arith.constant dense<0.000000e+00> : vector<128xf32>
    %reduce_sum3A_561 = vector.multi_reduction <add>, %add3A_559, %reduce_sum3A_560 [1] : vector<128x128xf32> to vector<128xf32>
    %broadcast_in_dim3A_562 = vector.shape_cast %reduce_sum3A_561 : vector<128xf32> to vector<128x1xf32>
    %div3A_563 = arith.constant 1.280000e+02 : f32
    %div3A_564 = vector.broadcast %div3A_563 : f32 to vector<128x1xf32>
    %div3A_565 = arith.divf %broadcast_in_dim3A_562, %div3A_564 : vector<128x1xf32>
    %sub3A_566 = vector.broadcast %div3A_565 : vector<128x1xf32> to vector<128x128xf32>
    %sub3A_567 = arith.subf %add3A_559, %sub3A_566 : vector<128x128xf32>
    %mul3A_568 = arith.mulf %sub3A_567, %sub3A_567 : vector<128x128xf32>
    %reduce_sum3A_569 = arith.constant dense<0.000000e+00> : vector<128xf32>
    %reduce_sum3A_570 = vector.multi_reduction <add>, %mul3A_568, %reduce_sum3A_569 [1] : vector<128x128xf32> to vector<128xf32>
    %broadcast_in_dim3A_571 = vector.shape_cast %reduce_sum3A_570 : vector<128xf32> to vector<128x1xf32>
    %div3A_572 = arith.constant 1.280000e+02 : f32
    %div3A_573 = vector.broadcast %div3A_572 : f32 to vector<128x1xf32>
    %div3A_574 = arith.divf %broadcast_in_dim3A_571, %div3A_573 : vector<128x1xf32>
    %add3A_575 = arith.constant 9.99999996E-13 : f32
    %add3A_576 = vector.broadcast %add3A_575 : f32 to vector<128x1xf32>
    %add3A_577 = arith.addf %div3A_574, %add3A_576 : vector<128x1xf32>
    %rsqrt3A_578 = math.rsqrt %add3A_577 : vector<128x1xf32>
    %mul3A_579 = vector.broadcast %rsqrt3A_578 : vector<128x1xf32> to vector<128x128xf32>
    %mul3A_580 = arith.mulf %sub3A_567, %mul3A_579 : vector<128x128xf32>
    %get3A_581 = arith.constant 0 : index
    %get3A_582 = arith.constant 0 : index
    %get3A_583 = vector.load %arg4[%get3A_581, %get3A_582] : memref<1x128xf32, #tpu.memory_space<vmem>>, vector<1x128xf32>
    %mul3A_584 = vector.broadcast %get3A_583 : vector<1x128xf32> to vector<128x128xf32>
    %mul3A_585 = arith.mulf %mul3A_580, %mul3A_584 : vector<128x128xf32>
    %get3A_586 = arith.constant 0 : index
    %get3A_587 = arith.constant 0 : index
    %get3A_588 = vector.load %arg5[%get3A_586, %get3A_587] : memref<1x128xf32, #tpu.memory_space<vmem>>, vector<1x128xf32>
    %add3A_589 = vector.broadcast %get3A_588 : vector<1x128xf32> to vector<128x128xf32>
    %add3A_590 = arith.addf %mul3A_585, %add3A_589 : vector<128x128xf32>
    %swap3A_591 = arith.constant 512 : index
    %swap3A_592 = arith.constant 0 : index
    %swap3A_593 = vector.load %arg6[%swap3A_591, %swap3A_592] : memref<1024x128xf32, #tpu.memory_space<vmem>>, vector<128x128xf32>
    tpu.vector_store %arg6[%swap3A_591, %swap3A_592], %add3A_590 {strides = array<i32>} : memref<1024x128xf32, #tpu.memory_space<vmem>>, vector<128x128xf32>,
    %get3A_594 = arith.constant 5 : index
    %get3A_595 = arith.constant 0 : index
    %get3A_596 = arith.constant 0 : index
    %get3A_597 = vector.load %arg2[%get3A_594, %get3A_595, %get3A_596] : memref<8x16x128xf32, #tpu.memory_space<vmem>>, vector<1x16x128xf32>
    %get3A_598 = vector.shape_cast %get3A_597 : vector<1x16x128xf32> to vector<16x128xf32>
    %get3A_599 = arith.constant 0 : index
    %get3A_600 = arith.constant 0 : index
    %get3A_601 = vector.load %arg3[%get3A_599, %get3A_600] : memref<16x640xf32, #tpu.memory_space<vmem>>, vector<16x640xf32>
    %dot_general3A_602 = arith.constant dense<0.000000e+00> : vector<128x640xf32>
    %dot_general3A_603 = tpu.matmul %get3A_598, %get3A_601, %dot_general3A_602 {dimension_numbers = #tpu.dot_dimension_numbers<[0], [0], [1], [1], [0, 1, 1, 1], [], []>, transpose_lhs_hint = false} : vector<16x128xf32>, vector<16x640xf32>, vector<128x640xf32> -> vector<128x640xf32>
    %slice3A_604 = vector.extract_strided_slice %dot_general3A_603 {offsets = [0, 0], sizes = [128, 128], strides = [1, 1]} : vector<128x640xf32> to vector<128x128xf32>
    %slice3A_605 = vector.extract_strided_slice %dot_general3A_603 {offsets = [0, 128], sizes = [128, 128], strides = [1, 1]} : vector<128x640xf32> to vector<128x128xf32>
    %floor3A_606 = math.floor %slice3A_605 : vector<128x128xf32>
    %mul3A_607 = arith.constant 6.281250e+00 : f32
    %mul3A_608 = vector.broadcast %mul3A_607 : f32 to vector<128x128xf32>
    %mul3A_609 = arith.mulf %floor3A_606, %mul3A_608 : vector<128x128xf32>
    %sub3A_610 = arith.subf %slice3A_604, %mul3A_609 : vector<128x128xf32>
    %mul3A_611 = arith.constant 0.00193500519 : f32
    %mul3A_612 = vector.broadcast %mul3A_611 : f32 to vector<128x128xf32>
    %mul3A_613 = arith.mulf %floor3A_606, %mul3A_612 : vector<128x128xf32>
    %sub3A_614 = arith.subf %sub3A_610, %mul3A_613 : vector<128x128xf32>
    %mul3A_615 = arith.constant 3.01991605E-7 : f32
    %mul3A_616 = vector.broadcast %mul3A_615 : f32 to vector<128x128xf32>
    %mul3A_617 = arith.mulf %floor3A_606, %mul3A_616 : vector<128x128xf32>
    %sub3A_618 = arith.subf %sub3A_614, %mul3A_617 : vector<128x128xf32>
    %mul3A_619 = arith.mulf %sub3A_618, %sub3A_618 : vector<128x128xf32>
    %mul3A_620 = arith.constant 1.85222198E-5 : f32
    %mul3A_621 = vector.broadcast %mul3A_620 : f32 to vector<128x128xf32>
    %mul3A_622 = arith.mulf %mul3A_621, %mul3A_619 : vector<128x128xf32>
    %add3A_623 = arith.constant -0.00133356766 : f32
    %add3A_624 = vector.broadcast %add3A_623 : f32 to vector<128x128xf32>
    %add3A_625 = arith.addf %mul3A_622, %add3A_624 : vector<128x128xf32>
    %mul3A_626 = arith.mulf %add3A_625, %mul3A_619 : vector<128x128xf32>
    %add3A_627 = arith.constant 0.041456718 : f32
    %add3A_628 = vector.broadcast %add3A_627 : f32 to vector<128x128xf32>
    %add3A_629 = arith.addf %mul3A_626, %add3A_628 : vector<128x128xf32>
    %mul3A_630 = arith.mulf %add3A_629, %mul3A_619 : vector<128x128xf32>
    %add3A_631 = arith.constant -0.49969697 : f32
    %add3A_632 = vector.broadcast %add3A_631 : f32 to vector<128x128xf32>
    %add3A_633 = arith.addf %mul3A_630, %add3A_632 : vector<128x128xf32>
    %mul3A_634 = arith.mulf %add3A_633, %mul3A_619 : vector<128x128xf32>
    %add3A_635 = arith.constant 0.999903738 : f32
    %add3A_636 = vector.broadcast %add3A_635 : f32 to vector<128x128xf32>
    %add3A_637 = arith.addf %mul3A_634, %add3A_636 : vector<128x128xf32>
    %select_n3A_638 = arith.select %eq3A_1, %slice3A_604, %add3A_637 : vector<128x128xi1>, vector<128x128xf32>
    %slice3A_639 = vector.extract_strided_slice %dot_general3A_603 {offsets = [0, 256], sizes = [128, 128], strides = [1, 1]} : vector<128x640xf32> to vector<128x128xf32>
    %slice3A_640 = vector.extract_strided_slice %dot_general3A_603 {offsets = [0, 384], sizes = [128, 128], strides = [1, 1]} : vector<128x640xf32> to vector<128x128xf32>
    %floor3A_641 = math.floor %slice3A_640 : vector<128x128xf32>
    %mul3A_642 = arith.constant 6.281250e+00 : f32
    %mul3A_643 = vector.broadcast %mul3A_642 : f32 to vector<128x128xf32>
    %mul3A_644 = arith.mulf %floor3A_641, %mul3A_643 : vector<128x128xf32>
    %sub3A_645 = arith.subf %slice3A_639, %mul3A_644 : vector<128x128xf32>
    %mul3A_646 = arith.constant 0.00193500519 : f32
    %mul3A_647 = vector.broadcast %mul3A_646 : f32 to vector<128x128xf32>
    %mul3A_648 = arith.mulf %floor3A_641, %mul3A_647 : vector<128x128xf32>
    %sub3A_649 = arith.subf %sub3A_645, %mul3A_648 : vector<128x128xf32>
    %mul3A_650 = arith.constant 3.01991605E-7 : f32
    %mul3A_651 = vector.broadcast %mul3A_650 : f32 to vector<128x128xf32>
    %mul3A_652 = arith.mulf %floor3A_641, %mul3A_651 : vector<128x128xf32>
    %sub3A_653 = arith.subf %sub3A_649, %mul3A_652 : vector<128x128xf32>
    %mul3A_654 = arith.mulf %sub3A_653, %sub3A_653 : vector<128x128xf32>
    %mul3A_655 = arith.constant 1.85222198E-5 : f32
    %mul3A_656 = vector.broadcast %mul3A_655 : f32 to vector<128x128xf32>
    %mul3A_657 = arith.mulf %mul3A_656, %mul3A_654 : vector<128x128xf32>
    %add3A_658 = arith.constant -0.00133356766 : f32
    %add3A_659 = vector.broadcast %add3A_658 : f32 to vector<128x128xf32>
    %add3A_660 = arith.addf %mul3A_657, %add3A_659 : vector<128x128xf32>
    %mul3A_661 = arith.mulf %add3A_660, %mul3A_654 : vector<128x128xf32>
    %add3A_662 = arith.constant 0.041456718 : f32
    %add3A_663 = vector.broadcast %add3A_662 : f32 to vector<128x128xf32>
    %add3A_664 = arith.addf %mul3A_661, %add3A_663 : vector<128x128xf32>
    %mul3A_665 = arith.mulf %add3A_664, %mul3A_654 : vector<128x128xf32>
    %add3A_666 = arith.constant -0.49969697 : f32
    %add3A_667 = vector.broadcast %add3A_666 : f32 to vector<128x128xf32>
    %add3A_668 = arith.addf %mul3A_665, %add3A_667 : vector<128x128xf32>
    %mul3A_669 = arith.mulf %add3A_668, %mul3A_654 : vector<128x128xf32>
    %add3A_670 = arith.constant 0.999903738 : f32
    %add3A_671 = vector.broadcast %add3A_670 : f32 to vector<128x128xf32>
    %add3A_672 = arith.addf %mul3A_669, %add3A_671 : vector<128x128xf32>
    %select_n3A_673 = arith.select %eq3A_1, %slice3A_639, %add3A_672 : vector<128x128xi1>, vector<128x128xf32>
    %get3A_674 = arith.constant 640 : index
    %get3A_675 = arith.constant 0 : index
    %get3A_676 = vector.load %arg1[%get3A_674, %get3A_675] : memref<1024x128xf32, #tpu.memory_space<vmem>>, vector<128x128xf32>
    %add3A_677 = arith.addf %select_n3A_638, %select_n3A_673 : vector<128x128xf32>
    %slice3A_678 = vector.extract_strided_slice %dot_general3A_603 {offsets = [0, 512], sizes = [128, 128], strides = [1, 1]} : vector<128x640xf32> to vector<128x128xf32>
    %add3A_679 = arith.addf %add3A_677, %slice3A_678 : vector<128x128xf32>
    %add3A_680 = arith.addf %get3A_676, %add3A_679 : vector<128x128xf32>
    %reduce_sum3A_681 = arith.constant dense<0.000000e+00> : vector<128xf32>
    %reduce_sum3A_682 = vector.multi_reduction <add>, %add3A_680, %reduce_sum3A_681 [1] : vector<128x128xf32> to vector<128xf32>
    %broadcast_in_dim3A_683 = vector.shape_cast %reduce_sum3A_682 : vector<128xf32> to vector<128x1xf32>
    %div3A_684 = arith.constant 1.280000e+02 : f32
    %div3A_685 = vector.broadcast %div3A_684 : f32 to vector<128x1xf32>
    %div3A_686 = arith.divf %broadcast_in_dim3A_683, %div3A_685 : vector<128x1xf32>
    %sub3A_687 = vector.broadcast %div3A_686 : vector<128x1xf32> to vector<128x128xf32>
    %sub3A_688 = arith.subf %add3A_680, %sub3A_687 : vector<128x128xf32>
    %mul3A_689 = arith.mulf %sub3A_688, %sub3A_688 : vector<128x128xf32>
    %reduce_sum3A_690 = arith.constant dense<0.000000e+00> : vector<128xf32>
    %reduce_sum3A_691 = vector.multi_reduction <add>, %mul3A_689, %reduce_sum3A_690 [1] : vector<128x128xf32> to vector<128xf32>
    %broadcast_in_dim3A_692 = vector.shape_cast %reduce_sum3A_691 : vector<128xf32> to vector<128x1xf32>
    %div3A_693 = arith.constant 1.280000e+02 : f32
    %div3A_694 = vector.broadcast %div3A_693 : f32 to vector<128x1xf32>
    %div3A_695 = arith.divf %broadcast_in_dim3A_692, %div3A_694 : vector<128x1xf32>
    %add3A_696 = arith.constant 9.99999996E-13 : f32
    %add3A_697 = vector.broadcast %add3A_696 : f32 to vector<128x1xf32>
    %add3A_698 = arith.addf %div3A_695, %add3A_697 : vector<128x1xf32>
    %rsqrt3A_699 = math.rsqrt %add3A_698 : vector<128x1xf32>
    %mul3A_700 = vector.broadcast %rsqrt3A_699 : vector<128x1xf32> to vector<128x128xf32>
    %mul3A_701 = arith.mulf %sub3A_688, %mul3A_700 : vector<128x128xf32>
    %get3A_702 = arith.constant 0 : index
    %get3A_703 = arith.constant 0 : index
    %get3A_704 = vector.load %arg4[%get3A_702, %get3A_703] : memref<1x128xf32, #tpu.memory_space<vmem>>, vector<1x128xf32>
    %mul3A_705 = vector.broadcast %get3A_704 : vector<1x128xf32> to vector<128x128xf32>
    %mul3A_706 = arith.mulf %mul3A_701, %mul3A_705 : vector<128x128xf32>
    %get3A_707 = arith.constant 0 : index
    %get3A_708 = arith.constant 0 : index
    %get3A_709 = vector.load %arg5[%get3A_707, %get3A_708] : memref<1x128xf32, #tpu.memory_space<vmem>>, vector<1x128xf32>
    %add3A_710 = vector.broadcast %get3A_709 : vector<1x128xf32> to vector<128x128xf32>
    %add3A_711 = arith.addf %mul3A_706, %add3A_710 : vector<128x128xf32>
    %swap3A_712 = arith.constant 640 : index
    %swap3A_713 = arith.constant 0 : index
    %swap3A_714 = vector.load %arg6[%swap3A_712, %swap3A_713] : memref<1024x128xf32, #tpu.memory_space<vmem>>, vector<128x128xf32>
    tpu.vector_store %arg6[%swap3A_712, %swap3A_713], %add3A_711 {strides = array<i32>} : memref<1024x128xf32, #tpu.memory_space<vmem>>, vector<128x128xf32>,
    %get3A_715 = arith.constant 6 : index
    %get3A_716 = arith.constant 0 : index
    %get3A_717 = arith.constant 0 : index
    %get3A_718 = vector.load %arg2[%get3A_715, %get3A_716, %get3A_717] : memref<8x16x128xf32, #tpu.memory_space<vmem>>, vector<1x16x128xf32>
    %get3A_719 = vector.shape_cast %get3A_718 : vector<1x16x128xf32> to vector<16x128xf32>
    %get3A_720 = arith.constant 0 : index
    %get3A_721 = arith.constant 0 : index
    %get3A_722 = vector.load %arg3[%get3A_720, %get3A_721] : memref<16x640xf32, #tpu.memory_space<vmem>>, vector<16x640xf32>
    %dot_general3A_723 = arith.constant dense<0.000000e+00> : vector<128x640xf32>
    %dot_general3A_724 = tpu.matmul %get3A_719, %get3A_722, %dot_general3A_723 {dimension_numbers = #tpu.dot_dimension_numbers<[0], [0], [1], [1], [0, 1, 1, 1], [], []>, transpose_lhs_hint = false} : vector<16x128xf32>, vector<16x640xf32>, vector<128x640xf32> -> vector<128x640xf32>
    %slice3A_725 = vector.extract_strided_slice %dot_general3A_724 {offsets = [0, 0], sizes = [128, 128], strides = [1, 1]} : vector<128x640xf32> to vector<128x128xf32>
    %slice3A_726 = vector.extract_strided_slice %dot_general3A_724 {offsets = [0, 128], sizes = [128, 128], strides = [1, 1]} : vector<128x640xf32> to vector<128x128xf32>
    %floor3A_727 = math.floor %slice3A_726 : vector<128x128xf32>
    %mul3A_728 = arith.constant 6.281250e+00 : f32
    %mul3A_729 = vector.broadcast %mul3A_728 : f32 to vector<128x128xf32>
    %mul3A_730 = arith.mulf %floor3A_727, %mul3A_729 : vector<128x128xf32>
    %sub3A_731 = arith.subf %slice3A_725, %mul3A_730 : vector<128x128xf32>
    %mul3A_732 = arith.constant 0.00193500519 : f32
    %mul3A_733 = vector.broadcast %mul3A_732 : f32 to vector<128x128xf32>
    %mul3A_734 = arith.mulf %floor3A_727, %mul3A_733 : vector<128x128xf32>
    %sub3A_735 = arith.subf %sub3A_731, %mul3A_734 : vector<128x128xf32>
    %mul3A_736 = arith.constant 3.01991605E-7 : f32
    %mul3A_737 = vector.broadcast %mul3A_736 : f32 to vector<128x128xf32>
    %mul3A_738 = arith.mulf %floor3A_727, %mul3A_737 : vector<128x128xf32>
    %sub3A_739 = arith.subf %sub3A_735, %mul3A_738 : vector<128x128xf32>
    %mul3A_740 = arith.mulf %sub3A_739, %sub3A_739 : vector<128x128xf32>
    %mul3A_741 = arith.constant 1.85222198E-5 : f32
    %mul3A_742 = vector.broadcast %mul3A_741 : f32 to vector<128x128xf32>
    %mul3A_743 = arith.mulf %mul3A_742, %mul3A_740 : vector<128x128xf32>
    %add3A_744 = arith.constant -0.00133356766 : f32
    %add3A_745 = vector.broadcast %add3A_744 : f32 to vector<128x128xf32>
    %add3A_746 = arith.addf %mul3A_743, %add3A_745 : vector<128x128xf32>
    %mul3A_747 = arith.mulf %add3A_746, %mul3A_740 : vector<128x128xf32>
    %add3A_748 = arith.constant 0.041456718 : f32
    %add3A_749 = vector.broadcast %add3A_748 : f32 to vector<128x128xf32>
    %add3A_750 = arith.addf %mul3A_747, %add3A_749 : vector<128x128xf32>
    %mul3A_751 = arith.mulf %add3A_750, %mul3A_740 : vector<128x128xf32>
    %add3A_752 = arith.constant -0.49969697 : f32
    %add3A_753 = vector.broadcast %add3A_752 : f32 to vector<128x128xf32>
    %add3A_754 = arith.addf %mul3A_751, %add3A_753 : vector<128x128xf32>
    %mul3A_755 = arith.mulf %add3A_754, %mul3A_740 : vector<128x128xf32>
    %add3A_756 = arith.constant 0.999903738 : f32
    %add3A_757 = vector.broadcast %add3A_756 : f32 to vector<128x128xf32>
    %add3A_758 = arith.addf %mul3A_755, %add3A_757 : vector<128x128xf32>
    %select_n3A_759 = arith.select %eq3A_1, %slice3A_725, %add3A_758 : vector<128x128xi1>, vector<128x128xf32>
    %slice3A_760 = vector.extract_strided_slice %dot_general3A_724 {offsets = [0, 256], sizes = [128, 128], strides = [1, 1]} : vector<128x640xf32> to vector<128x128xf32>
    %slice3A_761 = vector.extract_strided_slice %dot_general3A_724 {offsets = [0, 384], sizes = [128, 128], strides = [1, 1]} : vector<128x640xf32> to vector<128x128xf32>
    %floor3A_762 = math.floor %slice3A_761 : vector<128x128xf32>
    %mul3A_763 = arith.constant 6.281250e+00 : f32
    %mul3A_764 = vector.broadcast %mul3A_763 : f32 to vector<128x128xf32>
    %mul3A_765 = arith.mulf %floor3A_762, %mul3A_764 : vector<128x128xf32>
    %sub3A_766 = arith.subf %slice3A_760, %mul3A_765 : vector<128x128xf32>
    %mul3A_767 = arith.constant 0.00193500519 : f32
    %mul3A_768 = vector.broadcast %mul3A_767 : f32 to vector<128x128xf32>
    %mul3A_769 = arith.mulf %floor3A_762, %mul3A_768 : vector<128x128xf32>
    %sub3A_770 = arith.subf %sub3A_766, %mul3A_769 : vector<128x128xf32>
    %mul3A_771 = arith.constant 3.01991605E-7 : f32
    %mul3A_772 = vector.broadcast %mul3A_771 : f32 to vector<128x128xf32>
    %mul3A_773 = arith.mulf %floor3A_762, %mul3A_772 : vector<128x128xf32>
    %sub3A_774 = arith.subf %sub3A_770, %mul3A_773 : vector<128x128xf32>
    %mul3A_775 = arith.mulf %sub3A_774, %sub3A_774 : vector<128x128xf32>
    %mul3A_776 = arith.constant 1.85222198E-5 : f32
    %mul3A_777 = vector.broadcast %mul3A_776 : f32 to vector<128x128xf32>
    %mul3A_778 = arith.mulf %mul3A_777, %mul3A_775 : vector<128x128xf32>
    %add3A_779 = arith.constant -0.00133356766 : f32
    %add3A_780 = vector.broadcast %add3A_779 : f32 to vector<128x128xf32>
    %add3A_781 = arith.addf %mul3A_778, %add3A_780 : vector<128x128xf32>
    %mul3A_782 = arith.mulf %add3A_781, %mul3A_775 : vector<128x128xf32>
    %add3A_783 = arith.constant 0.041456718 : f32
    %add3A_784 = vector.broadcast %add3A_783 : f32 to vector<128x128xf32>
    %add3A_785 = arith.addf %mul3A_782, %add3A_784 : vector<128x128xf32>
    %mul3A_786 = arith.mulf %add3A_785, %mul3A_775 : vector<128x128xf32>
    %add3A_787 = arith.constant -0.49969697 : f32
    %add3A_788 = vector.broadcast %add3A_787 : f32 to vector<128x128xf32>
    %add3A_789 = arith.addf %mul3A_786, %add3A_788 : vector<128x128xf32>
    %mul3A_790 = arith.mulf %add3A_789, %mul3A_775 : vector<128x128xf32>
    %add3A_791 = arith.constant 0.999903738 : f32
    %add3A_792 = vector.broadcast %add3A_791 : f32 to vector<128x128xf32>
    %add3A_793 = arith.addf %mul3A_790, %add3A_792 : vector<128x128xf32>
    %select_n3A_794 = arith.select %eq3A_1, %slice3A_760, %add3A_793 : vector<128x128xi1>, vector<128x128xf32>
    %get3A_795 = arith.constant 768 : index
    %get3A_796 = arith.constant 0 : index
    %get3A_797 = vector.load %arg1[%get3A_795, %get3A_796] : memref<1024x128xf32, #tpu.memory_space<vmem>>, vector<128x128xf32>
    %add3A_798 = arith.addf %select_n3A_759, %select_n3A_794 : vector<128x128xf32>
    %slice3A_799 = vector.extract_strided_slice %dot_general3A_724 {offsets = [0, 512], sizes = [128, 128], strides = [1, 1]} : vector<128x640xf32> to vector<128x128xf32>
    %add3A_800 = arith.addf %add3A_798, %slice3A_799 : vector<128x128xf32>
    %add3A_801 = arith.addf %get3A_797, %add3A_800 : vector<128x128xf32>
    %reduce_sum3A_802 = arith.constant dense<0.000000e+00> : vector<128xf32>
    %reduce_sum3A_803 = vector.multi_reduction <add>, %add3A_801, %reduce_sum3A_802 [1] : vector<128x128xf32> to vector<128xf32>
    %broadcast_in_dim3A_804 = vector.shape_cast %reduce_sum3A_803 : vector<128xf32> to vector<128x1xf32>
    %div3A_805 = arith.constant 1.280000e+02 : f32
    %div3A_806 = vector.broadcast %div3A_805 : f32 to vector<128x1xf32>
    %div3A_807 = arith.divf %broadcast_in_dim3A_804, %div3A_806 : vector<128x1xf32>
    %sub3A_808 = vector.broadcast %div3A_807 : vector<128x1xf32> to vector<128x128xf32>
    %sub3A_809 = arith.subf %add3A_801, %sub3A_808 : vector<128x128xf32>
    %mul3A_810 = arith.mulf %sub3A_809, %sub3A_809 : vector<128x128xf32>
    %reduce_sum3A_811 = arith.constant dense<0.000000e+00> : vector<128xf32>
    %reduce_sum3A_812 = vector.multi_reduction <add>, %mul3A_810, %reduce_sum3A_811 [1] : vector<128x128xf32> to vector<128xf32>
    %broadcast_in_dim3A_813 = vector.shape_cast %reduce_sum3A_812 : vector<128xf32> to vector<128x1xf32>
    %div3A_814 = arith.constant 1.280000e+02 : f32
    %div3A_815 = vector.broadcast %div3A_814 : f32 to vector<128x1xf32>
    %div3A_816 = arith.divf %broadcast_in_dim3A_813, %div3A_815 : vector<128x1xf32>
    %add3A_817 = arith.constant 9.99999996E-13 : f32
    %add3A_818 = vector.broadcast %add3A_817 : f32 to vector<128x1xf32>
    %add3A_819 = arith.addf %div3A_816, %add3A_818 : vector<128x1xf32>
    %rsqrt3A_820 = math.rsqrt %add3A_819 : vector<128x1xf32>
    %mul3A_821 = vector.broadcast %rsqrt3A_820 : vector<128x1xf32> to vector<128x128xf32>
    %mul3A_822 = arith.mulf %sub3A_809, %mul3A_821 : vector<128x128xf32>
    %get3A_823 = arith.constant 0 : index
    %get3A_824 = arith.constant 0 : index
    %get3A_825 = vector.load %arg4[%get3A_823, %get3A_824] : memref<1x128xf32, #tpu.memory_space<vmem>>, vector<1x128xf32>
    %mul3A_826 = vector.broadcast %get3A_825 : vector<1x128xf32> to vector<128x128xf32>
    %mul3A_827 = arith.mulf %mul3A_822, %mul3A_826 : vector<128x128xf32>
    %get3A_828 = arith.constant 0 : index
    %get3A_829 = arith.constant 0 : index
    %get3A_830 = vector.load %arg5[%get3A_828, %get3A_829] : memref<1x128xf32, #tpu.memory_space<vmem>>, vector<1x128xf32>
    %add3A_831 = vector.broadcast %get3A_830 : vector<1x128xf32> to vector<128x128xf32>
    %add3A_832 = arith.addf %mul3A_827, %add3A_831 : vector<128x128xf32>
    %swap3A_833 = arith.constant 768 : index
    %swap3A_834 = arith.constant 0 : index
    %swap3A_835 = vector.load %arg6[%swap3A_833, %swap3A_834] : memref<1024x128xf32, #tpu.memory_space<vmem>>, vector<128x128xf32>
    tpu.vector_store %arg6[%swap3A_833, %swap3A_834], %add3A_832 {strides = array<i32>} : memref<1024x128xf32, #tpu.memory_space<vmem>>, vector<128x128xf32>,
    %get3A_836 = arith.constant 7 : index
    %get3A_837 = arith.constant 0 : index
    %get3A_838 = arith.constant 0 : index
    %get3A_839 = vector.load %arg2[%get3A_836, %get3A_837, %get3A_838] : memref<8x16x128xf32, #tpu.memory_space<vmem>>, vector<1x16x128xf32>
    %get3A_840 = vector.shape_cast %get3A_839 : vector<1x16x128xf32> to vector<16x128xf32>
    %get3A_841 = arith.constant 0 : index
    %get3A_842 = arith.constant 0 : index
    %get3A_843 = vector.load %arg3[%get3A_841, %get3A_842] : memref<16x640xf32, #tpu.memory_space<vmem>>, vector<16x640xf32>
    %dot_general3A_844 = arith.constant dense<0.000000e+00> : vector<128x640xf32>
    %dot_general3A_845 = tpu.matmul %get3A_840, %get3A_843, %dot_general3A_844 {dimension_numbers = #tpu.dot_dimension_numbers<[0], [0], [1], [1], [0, 1, 1, 1], [], []>, transpose_lhs_hint = false} : vector<16x128xf32>, vector<16x640xf32>, vector<128x640xf32> -> vector<128x640xf32>
    %slice3A_846 = vector.extract_strided_slice %dot_general3A_845 {offsets = [0, 0], sizes = [128, 128], strides = [1, 1]} : vector<128x640xf32> to vector<128x128xf32>
    %slice3A_847 = vector.extract_strided_slice %dot_general3A_845 {offsets = [0, 128], sizes = [128, 128], strides = [1, 1]} : vector<128x640xf32> to vector<128x128xf32>
    %floor3A_848 = math.floor %slice3A_847 : vector<128x128xf32>
    %mul3A_849 = arith.constant 6.281250e+00 : f32
    %mul3A_850 = vector.broadcast %mul3A_849 : f32 to vector<128x128xf32>
    %mul3A_851 = arith.mulf %floor3A_848, %mul3A_850 : vector<128x128xf32>
    %sub3A_852 = arith.subf %slice3A_846, %mul3A_851 : vector<128x128xf32>
    %mul3A_853 = arith.constant 0.00193500519 : f32
    %mul3A_854 = vector.broadcast %mul3A_853 : f32 to vector<128x128xf32>
    %mul3A_855 = arith.mulf %floor3A_848, %mul3A_854 : vector<128x128xf32>
    %sub3A_856 = arith.subf %sub3A_852, %mul3A_855 : vector<128x128xf32>
    %mul3A_857 = arith.constant 3.01991605E-7 : f32
    %mul3A_858 = vector.broadcast %mul3A_857 : f32 to vector<128x128xf32>
    %mul3A_859 = arith.mulf %floor3A_848, %mul3A_858 : vector<128x128xf32>
    %sub3A_860 = arith.subf %sub3A_856, %mul3A_859 : vector<128x128xf32>
    %mul3A_861 = arith.mulf %sub3A_860, %sub3A_860 : vector<128x128xf32>
    %mul3A_862 = arith.constant 1.85222198E-5 : f32
    %mul3A_863 = vector.broadcast %mul3A_862 : f32 to vector<128x128xf32>
    %mul3A_864 = arith.mulf %mul3A_863, %mul3A_861 : vector<128x128xf32>
    %add3A_865 = arith.constant -0.00133356766 : f32
    %add3A_866 = vector.broadcast %add3A_865 : f32 to vector<128x128xf32>
    %add3A_867 = arith.addf %mul3A_864, %add3A_866 : vector<128x128xf32>
    %mul3A_868 = arith.mulf %add3A_867, %mul3A_861 : vector<128x128xf32>
    %add3A_869 = arith.constant 0.041456718 : f32
    %add3A_870 = vector.broadcast %add3A_869 : f32 to vector<128x128xf32>
    %add3A_871 = arith.addf %mul3A_868, %add3A_870 : vector<128x128xf32>
    %mul3A_872 = arith.mulf %add3A_871, %mul3A_861 : vector<128x128xf32>
    %add3A_873 = arith.constant -0.49969697 : f32
    %add3A_874 = vector.broadcast %add3A_873 : f32 to vector<128x128xf32>
    %add3A_875 = arith.addf %mul3A_872, %add3A_874 : vector<128x128xf32>
    %mul3A_876 = arith.mulf %add3A_875, %mul3A_861 : vector<128x128xf32>
    %add3A_877 = arith.constant 0.999903738 : f32
    %add3A_878 = vector.broadcast %add3A_877 : f32 to vector<128x128xf32>
    %add3A_879 = arith.addf %mul3A_876, %add3A_878 : vector<128x128xf32>
    %select_n3A_880 = arith.select %eq3A_1, %slice3A_846, %add3A_879 : vector<128x128xi1>, vector<128x128xf32>
    %slice3A_881 = vector.extract_strided_slice %dot_general3A_845 {offsets = [0, 256], sizes = [128, 128], strides = [1, 1]} : vector<128x640xf32> to vector<128x128xf32>
    %slice3A_882 = vector.extract_strided_slice %dot_general3A_845 {offsets = [0, 384], sizes = [128, 128], strides = [1, 1]} : vector<128x640xf32> to vector<128x128xf32>
    %floor3A_883 = math.floor %slice3A_882 : vector<128x128xf32>
    %mul3A_884 = arith.constant 6.281250e+00 : f32
    %mul3A_885 = vector.broadcast %mul3A_884 : f32 to vector<128x128xf32>
    %mul3A_886 = arith.mulf %floor3A_883, %mul3A_885 : vector<128x128xf32>
    %sub3A_887 = arith.subf %slice3A_881, %mul3A_886 : vector<128x128xf32>
    %mul3A_888 = arith.constant 0.00193500519 : f32
    %mul3A_889 = vector.broadcast %mul3A_888 : f32 to vector<128x128xf32>
    %mul3A_890 = arith.mulf %floor3A_883, %mul3A_889 : vector<128x128xf32>
    %sub3A_891 = arith.subf %sub3A_887, %mul3A_890 : vector<128x128xf32>
    %mul3A_892 = arith.constant 3.01991605E-7 : f32
    %mul3A_893 = vector.broadcast %mul3A_892 : f32 to vector<128x128xf32>
    %mul3A_894 = arith.mulf %floor3A_883, %mul3A_893 : vector<128x128xf32>
    %sub3A_895 = arith.subf %sub3A_891, %mul3A_894 : vector<128x128xf32>
    %mul3A_896 = arith.mulf %sub3A_895, %sub3A_895 : vector<128x128xf32>
    %mul3A_897 = arith.constant 1.85222198E-5 : f32
    %mul3A_898 = vector.broadcast %mul3A_897 : f32 to vector<128x128xf32>
    %mul3A_899 = arith.mulf %mul3A_898, %mul3A_896 : vector<128x128xf32>
    %add3A_900 = arith.constant -0.00133356766 : f32
    %add3A_901 = vector.broadcast %add3A_900 : f32 to vector<128x128xf32>
    %add3A_902 = arith.addf %mul3A_899, %add3A_901 : vector<128x128xf32>
    %mul3A_903 = arith.mulf %add3A_902, %mul3A_896 : vector<128x128xf32>
    %add3A_904 = arith.constant 0.041456718 : f32
    %add3A_905 = vector.broadcast %add3A_904 : f32 to vector<128x128xf32>
    %add3A_906 = arith.addf %mul3A_903, %add3A_905 : vector<128x128xf32>
    %mul3A_907 = arith.mulf %add3A_906, %mul3A_896 : vector<128x128xf32>
    %add3A_908 = arith.constant -0.49969697 : f32
    %add3A_909 = vector.broadcast %add3A_908 : f32 to vector<128x128xf32>
    %add3A_910 = arith.addf %mul3A_907, %add3A_909 : vector<128x128xf32>
    %mul3A_911 = arith.mulf %add3A_910, %mul3A_896 : vector<128x128xf32>
    %add3A_912 = arith.constant 0.999903738 : f32
    %add3A_913 = vector.broadcast %add3A_912 : f32 to vector<128x128xf32>
    %add3A_914 = arith.addf %mul3A_911, %add3A_913 : vector<128x128xf32>
    %select_n3A_915 = arith.select %eq3A_1, %slice3A_881, %add3A_914 : vector<128x128xi1>, vector<128x128xf32>
    %get3A_916 = arith.constant 896 : index
    %get3A_917 = arith.constant 0 : index
    %get3A_918 = vector.load %arg1[%get3A_916, %get3A_917] : memref<1024x128xf32, #tpu.memory_space<vmem>>, vector<128x128xf32>
    %add3A_919 = arith.addf %select_n3A_880, %select_n3A_915 : vector<128x128xf32>
    %slice3A_920 = vector.extract_strided_slice %dot_general3A_845 {offsets = [0, 512], sizes = [128, 128], strides = [1, 1]} : vector<128x640xf32> to vector<128x128xf32>
    %add3A_921 = arith.addf %add3A_919, %slice3A_920 : vector<128x128xf32>
    %add3A_922 = arith.addf %get3A_918, %add3A_921 : vector<128x128xf32>
    %reduce_sum3A_923 = arith.constant dense<0.000000e+00> : vector<128xf32>
    %reduce_sum3A_924 = vector.multi_reduction <add>, %add3A_922, %reduce_sum3A_923 [1] : vector<128x128xf32> to vector<128xf32>
    %broadcast_in_dim3A_925 = vector.shape_cast %reduce_sum3A_924 : vector<128xf32> to vector<128x1xf32>
    %div3A_926 = arith.constant 1.280000e+02 : f32
    %div3A_927 = vector.broadcast %div3A_926 : f32 to vector<128x1xf32>
    %div3A_928 = arith.divf %broadcast_in_dim3A_925, %div3A_927 : vector<128x1xf32>
    %sub3A_929 = vector.broadcast %div3A_928 : vector<128x1xf32> to vector<128x128xf32>
    %sub3A_930 = arith.subf %add3A_922, %sub3A_929 : vector<128x128xf32>
    %mul3A_931 = arith.mulf %sub3A_930, %sub3A_930 : vector<128x128xf32>
    %reduce_sum3A_932 = arith.constant dense<0.000000e+00> : vector<128xf32>
    %reduce_sum3A_933 = vector.multi_reduction <add>, %mul3A_931, %reduce_sum3A_932 [1] : vector<128x128xf32> to vector<128xf32>
    %broadcast_in_dim3A_934 = vector.shape_cast %reduce_sum3A_933 : vector<128xf32> to vector<128x1xf32>
    %div3A_935 = arith.constant 1.280000e+02 : f32
    %div3A_936 = vector.broadcast %div3A_935 : f32 to vector<128x1xf32>
    %div3A_937 = arith.divf %broadcast_in_dim3A_934, %div3A_936 : vector<128x1xf32>
    %add3A_938 = arith.constant 9.99999996E-13 : f32
    %add3A_939 = vector.broadcast %add3A_938 : f32 to vector<128x1xf32>
    %add3A_940 = arith.addf %div3A_937, %add3A_939 : vector<128x1xf32>
    %rsqrt3A_941 = math.rsqrt %add3A_940 : vector<128x1xf32>
    %mul3A_942 = vector.broadcast %rsqrt3A_941 : vector<128x1xf32> to vector<128x128xf32>
    %mul3A_943 = arith.mulf %sub3A_930, %mul3A_942 : vector<128x128xf32>
    %get3A_944 = arith.constant 0 : index
    %get3A_945 = arith.constant 0 : index
    %get3A_946 = vector.load %arg4[%get3A_944, %get3A_945] : memref<1x128xf32, #tpu.memory_space<vmem>>, vector<1x128xf32>
    %mul3A_947 = vector.broadcast %get3A_946 : vector<1x128xf32> to vector<128x128xf32>
    %mul3A_948 = arith.mulf %mul3A_943, %mul3A_947 : vector<128x128xf32>
    %get3A_949 = arith.constant 0 : index
    %get3A_950 = arith.constant 0 : index
    %get3A_951 = vector.load %arg5[%get3A_949, %get3A_950] : memref<1x128xf32, #tpu.memory_space<vmem>>, vector<1x128xf32>
    %add3A_952 = vector.broadcast %get3A_951 : vector<1x128xf32> to vector<128x128xf32>
    %add3A_953 = arith.addf %mul3A_948, %add3A_952 : vector<128x128xf32>
    %swap3A_954 = arith.constant 896 : index
    %swap3A_955 = arith.constant 0 : index
    %swap3A_956 = vector.load %arg6[%swap3A_954, %swap3A_955] : memref<1024x128xf32, #tpu.memory_space<vmem>>, vector<128x128xf32>
    tpu.vector_store %arg6[%swap3A_954, %swap3A_955], %add3A_953 {strides = array<i32>} : memref<1024x128xf32, #tpu.memory_space<vmem>>, vector<128x128xf32>,
    return
  }
  func.func @transform_0(%arg0: i32) -> (i32, i32) {
    %c0_i32 = arith.constant 0 : i32
    %c0_i32_0 = arith.constant 0 : i32
    return %arg0, %c0_i32 : i32, i32
  }
  func.func @transform_1(%arg0: i32) -> (i32, i32, i32) {
    %c0_i32 = arith.constant 0 : i32
    %c0_i32_0 = arith.constant 0 : i32
    %c0_i32_1 = arith.constant 0 : i32
    return %arg0, %c0_i32, %c0_i32_0 : i32, i32, i32
  }
  func.func @transform_2(%arg0: i32) -> (i32, i32) {
    %c0_i32 = arith.constant 0 : i32
    %c0_i32_0 = arith.constant 0 : i32
    %c0_i32_1 = arith.constant 0 : i32
    return %c0_i32, %c0_i32_0 : i32, i32
  }
  func.func @transform_3(%arg0: i32) -> (i32, i32) {
    %c0_i32 = arith.constant 0 : i32
    %c0_i32_0 = arith.constant 0 : i32
    %c0_i32_1 = arith.constant 0 : i32
    return %c0_i32, %c0_i32_0 : i32, i32
  }
  func.func @transform_4(%arg0: i32) -> (i32, i32) {
    %c0_i32 = arith.constant 0 : i32
    %c0_i32_0 = arith.constant 0 : i32
    %c0_i32_1 = arith.constant 0 : i32
    return %c0_i32, %c0_i32_0 : i32, i32
  }
  func.func @transform_5(%arg0: i32) -> (i32, i32) {
    %c0_i32 = arith.constant 0 : i32
    %c0_i32_0 = arith.constant 0 : i32
    return %arg0, %c0_i32 : i32, i32
  }
}

</mosaic_0001>

<sc_bundles>
// kernel: kernel.4.cloned.1.call-start
scs
__scs_entry_jumppad:
0x0: {  	(pc) =	sbr.rel $0x88, $3  }
0x1: {  	(tag) =	ssettag $0x0;
	lr =	simm.s32 $0x1  }
0x2: {  	[smem:$0x3F91] =	sst lr;
	_ =	strace $0xD0000000  }
0x3: {  	_ = 	snop  }
0x4: {  	_ = 	snop  }
0x5: {  	_ = 	snop  }
0x6: {  	_ = 	snop  }
0x7: {  	_ = 	snop  }
__scs_overlays_trampoline_lowered:
0x8: {  	[smem:$0x3FA0] =	sst s0  }
0x9: {  	[smem:$0x3FA1] =	sst s1  }
0xa: {  	[smem:$0x3FA2] =	sst s2  }
0xb: {  	[smem:$0x3FA3] =	sst s3  }
0xc: {  	[smem:$0x3FA4] =	sst s4  }
0xd: {  	[smem:$0x3FA5] =	sst s5  }
0xe: {  	[smem:$0x3FA6] =	sst s6  }
0xf: {  	[smem:$0x3FA7] =	sst s7  }
0x10: {  	[smem:$0x3FA8] =	sst s8  }
0x11: {  	[smem:$0x3FA9] =	sst s9;
	s0 =	simm.s32 @!p0 $0x0  }
0x12: {  	s1 =	sld [smem:$0x3F8F];
	s0 =	simm.s32 @p0 $0x1  }
0x13: {  	[smem:$0x3FAA] =	sst s0;
	s0 =	simm.s32 @!p1 $0x0  }
0x14: {  	s2 =	sld [smem:$0x3F8E];
	s0 =	simm.s32 @p1 $0x1  }
0x15: {  	[smem:$0x3FAB] =	sst s0;
	s0 =	simm.s32 @!p2 $0x0  }
0x16: {  	s3 =	sld [smem:$0x3FDB];
	s0 =	simm.s32 @p2 $0x1  }
0x17: {  	s4 =	simm.s32 $0x1BF5;
	[smem:$0x3FAD] =	sst s0  }
0x18: {  	s0 =	sld [smem:$0x3F90];
	_ =	swait.ge [sflag:s4], $0x0  }
0x19: {  	s7 =	sld [smem:$0x3F91]  }
0x1a: {  	s8 =	sadd.s32 $0xFFFFE003, lr  }
0x1b: {  	s9 =	sadd.s32 $0xFFFFFEF7, lr;
	s5 =	simm.s32 $0xFFFFFFFF;
	p2 =	slt.u32 s8, $0xFFFFF086  }
0x1c: {  	p1 =	slt.u32 s9, $0xF7A;
	s5 =	simm.s32 @!p2 $0x0  }
0x1d: {  	s5 =	simm.s32 @p1 $0x1;
	p0 =	seq.s32 s7, s2  }
0x1e: {  	s7 =	smul.u32 @!p0 $0xF7A, s2;
	p2 =	seq.s32 @!p0 s5, $0x0  }
0x1f: {  	s9 =	smul.u32 $0xF7A, s1;
	s8 =	simm.s32 @!p0 $0x1BF5;
	p2 =	por !p2, p0  }
0x20: {  	[sflag:s8] =	ssyncset.s32 @!p0 $0xFFFFF086;
	s6 =	sadd.s32 @!p0 s3, s7;
	s7 =	simm.s32 @!p0 $0x108  }
0x21: {  	s3 =	sadd.s32 s3, s9;
	s6 =	sadd.s32 @!p0 $0x88, s6;
	s7 =	simm.s32 @p2 $0x1082  }
0x22: {  	[simem:s7], [sflag:s8] =	dma.local @!p0 [hbm:s6], $0xF7A  }
0x23: {  	s9 =	sor.u32 $0xD0000000, s2;
	s6 =	simm.s32 $0x108;
	_ =	swait.ge @!p0 [sflag:s8], $0x0  }
0x24: {  	s3 =	sadd.s32 $0x88, s3;
	s6 =	simm.s32 @!p1 $0x1082;
	[sflag:s4] =	ssyncset.s32 $0xFFFFF086  }
0x25: {  	[simem:s6], [sflag:s4] =	dma.local [hbm:s3], $0xF7A  }
0x26: {  	[smem:$0x3F91] =	sst s1;
	(tag) =	ssettag s2;
	_ =	strace s9  }
0x27: {  	s1 =	sld [smem:$0x3FA1]  }
0x28: {  	s2 =	sld [smem:$0x3FA2]  }
0x29: {  	s4 =	sld [smem:$0x3FA4]  }
0x2a: {  	p0 =	seq.s32 s5, $0x0;
	s5 =	sld [smem:$0x3FA5]  }
0x2b: {  	s6 =	sld [smem:$0x3FA6]  }
0x2c: {  	s7 =	sld [smem:$0x3FA7]  }
0x2d: {  	s3 =	simm.s32 $0x108;
	s8 =	sld [smem:$0x3FA8]  }
0x2e: {  	s3 =	simm.s32 @!p0 $0x1082;
	s9 =	sld [smem:$0x3FA9]  }
0x2f: {  	lr =	sadd.s32 s0, s3;
	s0 =	sld [smem:$0x3FA0]  }
0x30: {  	s3 =	sld [smem:$0x3FA3]  }
0x31: {  	[smem:$0x3FAC] =	sst s10  }
0x32: {  	s10 =	sld [smem:$0x3FAA];
	_ =	sdelay $0x3  }
0x33: {  	p0 =	seq.s32 s10, $0x1;
	s10 =	sld [smem:$0x3FAC];
	_ =	sdelay $0x3  }
0x34: {  	[smem:$0x3FAC] =	sst s10  }
0x35: {  	s10 =	sld [smem:$0x3FAB];
	_ =	sdelay $0x3  }
0x36: {  	p1 =	seq.s32 s10, $0x1;
	s10 =	sld [smem:$0x3FAC];
	_ =	sdelay $0x3  }
0x37: {  	[smem:$0x3FAC] =	sst s10  }
0x38: {  	s10 =	sld [smem:$0x3FAD]  }
0x39: {  	_ = 	snop;
	(pc) =	sbr.ind lr, $3  }
0x3a: {  	_ = 	snop  }
0x3b: {  	_ = 	snop  }
0x3c: {  	p2 =	seq.s32 s10, $0x1;
	s10 =	sld [smem:$0x3FAC]  }
0x3d: {  	_ =	shalt  }
0x3e: {  	_ =	shalt  }
0x3f: {  	_ =	shalt  }
0x40: {  	_ =	shalt  }
0x41: {  	_ =	shalt  }
0x42: {  	_ =	shalt  }
0x43: {  	_ =	shalt  }
0x44: {  	_ =	shalt  }
0x45: {  	_ =	shalt  }
0x46: {  	_ =	shalt  }
0x47: {  	_ =	shalt  }
0x48: {  	_ =	shalt  }
0x49: {  	_ =	shalt  }
0x4a: {  	_ =	shalt  }
0x4b: {  	_ =	shalt  }
0x4c: {  	_ =	shalt  }
0x4d: {  	_ =	shalt  }
0x4e: {  	_ =	shalt  }
0x4f: {  	_ =	shalt  }
0x50: {  	_ =	shalt  }
0x51: {  	_ =	shalt  }
0x52: {  	_ =	shalt  }
0x53: {  	_ =	shalt  }
0x54: {  	_ =	shalt  }
0x55: {  	_ =	shalt  }
0x56: {  	_ =	shalt  }
0x57: {  	_ =	shalt  }
0x58: {  	_ =	shalt  }
0x59: {  	_ =	shalt  }
0x5a: {  	_ =	shalt  }
0x5b: {  	_ =	shalt  }
0x5c: {  	_ =	shalt  }
0x5d: {  	_ =	shalt  }
0x5e: {  	_ =	shalt  }
0x5f: {  	_ =	shalt  }
0x60: {  	_ =	shalt  }
0x61: {  	_ =	shalt  }
0x62: {  	_ =	shalt  }
0x63: {  	_ =	shalt  }
0x64: {  	_ =	shalt  }
0x65: {  	_ =	shalt  }
0x66: {  	_ =	shalt  }
0x67: {  	_ =	shalt  }
0x68: {  	_ =	shalt  }
0x69: {  	_ =	shalt  }
0x6a: {  	_ =	shalt  }
0x6b: {  	_ =	shalt  }
0x6c: {  	_ =	shalt  }
0x6d: {  	_ =	shalt  }
0x6e: {  	_ =	shalt  }
0x6f: {  	_ =	shalt  }
0x70: {  	_ =	shalt  }
0x71: {  	_ =	shalt  }
0x72: {  	_ =	shalt  }
0x73: {  	_ =	shalt  }
0x74: {  	_ =	shalt  }
0x75: {  	_ =	shalt  }
0x76: {  	_ =	shalt  }
0x77: {  	_ =	shalt  }
0x78: {  	_ =	shalt  }
0x79: {  	_ =	shalt  }
0x7a: {  	_ =	shalt  }
0x7b: {  	_ =	shalt  }
0x7c: {  	_ =	shalt  }
0x7d: {  	_ =	shalt  }
0x7e: {  	_ =	shalt  }
0x7f: {  	_ =	shalt  }
0x80: {  	_ =	shalt  }
0x81: {  	_ =	shalt  }
0x82: {  	_ =	shalt  }
0x83: {  	_ =	shalt  }
0x84: {  	_ =	shalt  }
0x85: {  	_ =	shalt  }
0x86: {  	_ =	shalt  }
0x87: {  	_ =	shalt  }
.Lfunc_end0:
.L_simem_size_0:
called_computation_lowered:
.L_overlay_start_0:
0x88: {  	s2 =	sld [smem:$0x3FD9]  }
0x89: {  	s3 =	sld [smem:$0x3FFE];
	_ =	sdelay $0x1  }
0x8a: {  	s1 =	srdreg.scid  }
0x8b: {  	s0 =	sand.u32 $0x1, s1  }
0x8c: {  	s17 =	sshll.u32 s0, $0xA;
	s2 =	sadd.s32 s3, s2  }
0x8d: {  	s2 =	sadd.s32 s2, s17  }
0x8e: {  	[smem:$0x3FB8] =	sst s2  }
0x8f: {  	_ = 	snop  }
0x90: {  	s2 =	sld [smem:$0x3FC5]  }
0x91: {  	s18 =	sld [smem:$0x3FD0];
	(tm) =	ssettm $0x1  }
0x92: {  	s4 =	sld [smem:$0x3FFB];
	_ =	sdelay $0x3  }
0x93: {  	_ =	strace s4  }
0x94: {  	s4 =	sld [smem:$0x3FFC];
	_ =	sdelay $0x3  }
0x95: {  	_ =	strace s4  }
0x96: {  	s4 =	sld [smem:$0x3FFD];
	_ =	sdelay $0x3  }
0x97: {  	_ =	strace s4  }
0x98: {  	_ =	strace $0x8FFFFFFF  }
0x99: {  	s19 =	sld [smem:$0x3FDB];
	_ =	sdelay $0x1  }
0x9a: {  	s5 =	simm.s32 $_scs_section_size  }
0x9b: {  	s6 =	simm.s32 $_size__tile_overlayer_lowered;
	s7 =	simm.s32 $_tile_overlayer_lowered  }
0x9c: {  	s22 =	simm.s32 $0x1BFF;
	s21 =	sshll.u32 s7, $0x1;
	s4 =	sadd.s32 s5, s19  }
0x9d: {  	s8 =	simm.s32 $0x0;
	s20 =	sshll.u32 s6, $0x1;
	s6 =	sadd.s32 s21, s4  }
0x9e: {  	[timem:s8], [sflag:s22] =	dma.local [hbm:s6], s20  }
0x9f: {  	_ =	swait.ge [sflag:s22], s20  }
0xa0: {  	s5 =	ssub.s32 $0x0, s20;
	[sflag:s22] =	ssyncset.done $0x0  }
0xa1: {  	[sflag:s22] =	ssyncadd.s32 s5;
	_ =	sdelay $0x1  }
0xa2: {  	s23 =	simm.s32 $0x1B8B  }
0xa3: {  	_ =	swait.ge [sflag:s23], $0x1  }
0xa4: {  	[sflag:s23] =	ssyncset.done $0x0  }
0xa5: {  	s25 =	simm.s32 $0x1B8E;
	s24 =	sld [smem:$0x3FFE];
	[sflag:s23] =	ssyncadd.s32 $0xFFFFFFFF  }
0xa6: {  	s26 =	simm.s32 $execute0_lowered;
	[smem:$0x3FD2] =	sst s25  }
0xa7: {  	s6 =	sshll.u32 s26, $0x1;
	_ =	strace $0x80000046;
	[dreg:$0x1] =	wrdreg $0xFFFFFFFF  }
0xa8: {  	s28 =	simm.s32 $_size_execute0_lowered;
	s4 =	sadd.s32 s4, s6;
	[dreg:$0x0] =	wrdreg $0x0  }
0xa9: {  	s6 =	sshll.u32 s28, $0x1;
	[dreg:$0x2] =	wrdreg s4  }
0xaa: {  	[dreg:$0x3] =	wrdreg s6  }
0xab: {  	[dreg:$0x4] =	wrdreg $0xC0  }
0xac: {  	_ =	task [dreg:s8], $0x5FFFF  }
0xad: {  	[dreg:$0x1] =	wrdreg $0xFFFFFFFF  }
0xae: {  	[dreg:$0x0] =	wrdreg $0x60  }
0xaf: {  	[dreg:$0x2] =	wrdreg s2  }
0xb0: {  	[dreg:$0x3] =	wrdreg s18  }
0xb1: {  	[dreg:$0x4] =	wrdreg s24  }
0xb2: {  	[dreg:$0x5] =	wrdreg $0x9  }
0xb3: {  	_ =	task.clear_ibuf [dreg:s8], $0x6FFFF;
	_ =	strace $0x90000046  }
0xb4: {  	s29 =	simm.s32 $0x9;
	_ =	strace $0x80000048  }
0xb5: {  	_ =	swait.ge [sflag:s29], $0x1  }
0xb6: {  	[sflag:s29] =	ssyncadd.s32 $0xFFFFFFFF  }
0xb7: {  	_ =	strace $0x90000048  }
0xb8: {  	_ =	sfence  }
0xb9: {  	s30 =	sld [smem:$0x0];
	_ =	sdelay $0x2  }
0xba: {  	s31 =	sshll.u32 s1, $0xD;
	s1 =	sshrl.u32 s1, $0x2  }
0xbb: {  	s3 =	sand.u32 $0x4000, s31;
	s1 =	sadd.s32 s1, s30  }
0xbc: {  	s0 =	sor.u32 s3, s0;
	s1 =	sshll.u32 s1, $0x11  }
0xbd: {  	s0 =	sor.u32 s1, s0  }
0xbe: {  	s0 =	sadd.s32 $0x8F2B, s0  }
0xbf: {  	[sflag:s0] =	ssyncadd.remote.s32 $0x1  }
0xc0: {  	_ =	sfence.sel $0xFFFF  }
0xc1: {  	[dreg:$0x0] =	wrdreg $0xFFFFFFFF;
	(pc) =	sbr.abs _section_cstart, $3  }
0xc2: {  	[dreg:$0x1] =	wrdreg $0xFFFFFFFF  }
0xc3: {  	_ =	task.clear_ibuf [dreg:s8], $0x2FFFF;
	_ =	strace $0x9FFFFFFF  }
0xc4: {  	(tm) =	ssettm $0x7FFFFFFF  }
0xc5: {  	_ =	shalt  }
tec
execute0_lowered:
.L_overlay_start_1:
0x0: {  	(tag) =	ssettag $0x1  }
0x1: {  	s2 =	rddreg [dreg:$0x0]  }
0x2: {  	s6 =	rddreg [dreg:$0x1]  }
0x3: {  	s4 =	rddreg [dreg:$0x2]  }
0x4: {  	s0 =	rddreg [dreg:$0x3];
	s1 =	stileid.u32  }
0x5: {  	s7 =	srdreg.scid;
	s5 =	smul.u32 $0x32000, s1  }
0x6: {  	s3 =	simm.s32 $0x0;
	s7 =	sand.u32 $0x1, s7;
	s8 =	smul.u32 $0x3200, s1  }
0x7: {  	[smem:$0x7FF] =	sst s3;
	s9 =	ssub.s32 $0x2, s7;
	s10 =	smul.u32 $0x1900, s7  }
0x8: {  	s7 =	smul.u32 $0x19000, s7;
	_ =	strace $0x80000047;
	s30 =	sshrl.u32 s9, $0x1  }
0x9: {  	s5 =	sadd.s32 s5, s4;
	s4 =	ssub.s32 s9, s30;
	s8 =	sadd.s32 s10, s8  }
0xa: {  	s5 =	sadd.s32 s7, s5;
	s7 =	simm.s32 $0x2;
	s9 =	simm.s32 $0x1  }
0xb: {  	s10 =	simm.s32 $0x0;
	s4 =	smax.u32 s4, $0x1;
	s31 =	sshrl.u32 s8, $0x3  }
0xc: {  	s5 =	sadd.s32 $0x2800, s5;
	s8 =	simm.s32 $0x80;
	s6 =	sadd.s32 s31, s6  }
.LBB2_1:
0xd: {  	s11 =	sadd.s32 $0x0, s6  }
0xe: {  	[tilespmem:s3], [sflag:$0x2] =	stream.linear.gather [hbm4b:s11+s3], $0x80, $0x38;
	[tilespmem:$0x4080] =	vst v63  }
0xf: {  	_ =	swait.ge [sflag:s7], $0x80  }
0x10: {  	[sflag:s7] =	ssyncset.done $0x0  }
0x11: {  	[sflag:s7] =	ssyncadd.s32 $0xFFFFFF80  }
0x12: {  	[tilespmem:s8], [sflag:$0x1] =	stream.indirect.gather [hbm4b:s2+s8], $0x80, s3, s8, $0xb8;
	[tilespmem:$0x4080] =	vst v63  }
0x13: {  	_ =	swait.ge [sflag:s9], $0x4000  }
0x14: {  	[sflag:s9] =	ssyncset.done $0x0  }
0x15: {  	[sflag:s9] =	ssyncadd.s32 $0xFFFFC000  }
0x16: {  	[hbm4b:s5+s3] =	stream.linear.scatter [tilespmem:s8], [sflag:$0x2], $0x4000, $0x38;
	[tilespmem:$0x4080] =	vst v63  }
0x17: {  	s12 =	simm.s32 $0x10;
	_ =	swait.ge [sflag:s7], $0x4000  }
0x18: {  	s13 =	simm.s32 $0x20;
	s11 =	sadd.s32 $0x800, s5;
	[sflag:s7] =	ssyncset.done $0x0  }
.LBB2_2:
0x19: {  	s14 =	sadd.s32 s12, s6  }
0x1a: {  	[sflag:s7] =	ssyncadd.s32 $0xFFFFC000;
	s12 =	smov.u32 s13;
	s15 =	sadd.s32 $0x10, s13  }
0x1b: {  	[tilespmem:s3], [sflag:$0x2] =	stream.linear.gather [hbm4b:s14+s3], $0x80, $0x38;
	[tilespmem:$0x4080] =	vst v63  }
0x1c: {  	p0 =	sne.s32 s13, $0x310;
	_ =	swait.ge [sflag:s7], $0x80  }
0x1d: {  	[sflag:s7] =	ssyncset.done $0x0  }
0x1e: {  	[sflag:s7] =	ssyncadd.s32 $0xFFFFFF80  }
0x1f: {  	[tilespmem:s8], [sflag:$0x1] =	stream.indirect.gather [hbm4b:s2+s8], $0x80, s3, s8, $0xb8;
	[tilespmem:$0x4080] =	vst v63  }
0x20: {  	_ =	swait.ge [sflag:s9], $0x4000  }
.Ltmp0:
0x21: {  	[sflag:s9] =	ssyncset.done $0x0;
	(pc) =	sbr.rel @p0 .LBB2_2-.Ltmp0, $4  }
0x22: {  	[sflag:s9] =	ssyncadd.s32 $0xFFFFC000  }
0x23: {  	[hbm4b:s11+s3] =	stream.linear.scatter [tilespmem:s8], [sflag:$0x2], $0x4000, $0x38;
	[tilespmem:$0x4080] =	vst v63  }
0x24: {  	_ =	swait.ge [sflag:s7], $0x4000  }
0x25: {  	s13 =	smov.u32 s15;
	s11 =	sadd.s32 $0x800, s11;
	[sflag:s7] =	ssyncset.done $0x0  }
0x26: {  	s12 =	sadd.s32 s12, s6;
	[sflag:s7] =	ssyncadd.s32 $0xFFFFC000  }
0x27: {  	[tilespmem:s3], [sflag:$0x2] =	stream.linear.gather [hbm4b:s12+s3], $0x80, $0x38;
	[tilespmem:$0x4080] =	vst v63  }
0x28: {  	_ =	swait.ge [sflag:s7], $0x80  }
0x29: {  	[sflag:s7] =	ssyncset.done $0x0  }
0x2a: {  	[sflag:s7] =	ssyncadd.s32 $0xFFFFFF80  }
0x2b: {  	[tilespmem:s8], [sflag:$0x1] =	stream.indirect.gather [hbm4b:s2+s8], $0x80, s3, s8, $0xb8;
	[tilespmem:$0x4080] =	vst v63  }
0x2c: {  	s10 =	sadd.s32 $0x1, s10;
	_ =	swait.ge [sflag:s9], $0x4000  }
0x2d: {  	p0 =	sne.s32 s10, s4;
	[sflag:s9] =	ssyncset.done $0x0  }
.Ltmp1:
0x2e: {  	[sflag:s9] =	ssyncadd.s32 $0xFFFFC000;
	(pc) =	sbr.rel @p0 .LBB2_1-.Ltmp1, $4  }
0x2f: {  	[hbm4b:s11+s3] =	stream.linear.scatter [tilespmem:s8], [sflag:$0x2], $0x4000, $0x38;
	[tilespmem:$0x4080] =	vst v63  }
0x30: {  	_ =	swait.ge [sflag:s7], $0x4000  }
0x31: {  	[sflag:s7] =	ssyncset.done $0x0  }
0x32: {  	[sflag:s7] =	ssyncadd.s32 $0xFFFFC000  }
0x33: {  	_ =	sfence.sel $0x180000  }
0x34: {  	[bflag:$0x0] =	sbarrier.arrive $0xFFFF  }
0x35: {  	p0 =	sne.s32 s1, $0x0;
	_ =	strace $0x90000047  }
0x36: {  	s0 =	sadd.s32 @!p0 $0x100000, s0;
	[bflag:$0x2] =	sbarrier.arrive $0xFFFF  }
0x37: {  	[sflag:s0] =	ssyncadd.tile.s32 @!p0 $0x1;
	_ =	shalt  }
.Lfunc_end2:
_tile_overlayer_lowered:
.L_overlay_start_2:
0x38: {  	(tag) =	ssettag $0x2  }
0x39: {  	s0 =	rddreg [dreg:$0x0];
	s2 =	stileid.u32  }
0x3a: {  	s1 =	rddreg [dreg:$0x1];
	p0 =	sne.s32 s2, $0x0  }
0x3b: {  	s3 =	rddreg [dreg:$0x2];
	[bflag:$0x3] =	sbarrier.arrive $0xFFFF;
	s2 =	simm.s32 @!p0 $0x1C02  }
0x3c: {  	[timem:s3], [sflag:s2] =	dma.local @!p0 [hbm:s0], s1  }
0x3d: {  	s0 =	simm.s32 @!p0 $0x2  }
0x3e: {  	_ =	swait.ge @!p0 [sflag:s0], s1  }
0x3f: {  	s1 =	ssub.s32 @!p0 $0x0, s1;
	[sflag:s0] =	ssyncset.done @!p0 $0x0  }
0x40: {  	[sflag:s0] =	ssyncadd.s32 @!p0 s1  }
0x41: {  	[bflag:$0x3] =	sbarrier.arrive $0xFFFF  }
0x42: {  	_ =	shalt  }

</sc_bundles>
